<compile_context>
chip_gen: v7x
topology: tpu7x:2x2x1
jax: 0.10.2.dev20260603
libtpu: 0.0.44.dev20260713+nightly
codegen_flags: <defaults>
</compile_context>

<pallas_src>
import functools

import jax
import jax.numpy as jnp
from jax import lax
from jax.experimental import pallas as pl
from jax.experimental.pallas import tpu as pltpu
from jax.experimental.pallas import tpu_sc as plsc

NUM_SPEAKERS = 1_000_000
EMBED_DIM = 64
BATCH = 16384

NUM_CORES = 2
NUM_SUBCORES = 16
NUM_WORKERS = NUM_CORES * NUM_SUBCORES
B_PER_W = BATCH // NUM_WORKERS
GROUP = 16
NGROUP = B_PER_W // GROUP
NSLOT = 8
BLK = 128

_mesh = plsc.VectorSubcoreMesh(core_axis_name="c", subcore_axis_name="s")


@functools.partial(
    pl.kernel,
    mesh=_mesh,
    out_type=jax.ShapeDtypeStruct((EMBED_DIM, BATCH), jnp.float32),
    scratch_types=[
        pltpu.VMEM((B_PER_W,), jnp.int32),
        pltpu.VMEM((NSLOT * EMBED_DIM, BLK), jnp.float32),
        pltpu.VMEM((EMBED_DIM, B_PER_W), jnp.float32),
        pltpu.SemaphoreType.DMA,
    ],
    compiler_params=pltpu.CompilerParams(needs_layout_passes=False),
)
def _gather_t(idx_hbm, table_t_hbm, out_t_hbm, idx_v, blk_v, val_v, sem):
    wid = lax.axis_index("s") * NUM_CORES + lax.axis_index("c")
    base = pl.multiple_of(wid * B_PER_W, B_PER_W)
    pltpu.sync_copy(idx_hbm.at[pl.ds(base, B_PER_W)], idx_v)
    lane = lax.iota(jnp.int32, 16)

    def fire(c_scalar, slot):
        col0 = pl.multiple_of(c_scalar * BLK, BLK)
        pltpu.async_copy(
            table_t_hbm.at[:, pl.ds(col0, BLK)],
            blk_v.at[pl.ds(slot * EMBED_DIM, EMBED_DIM), :],
            sem,
        )

    def wait_one(slot):
        pltpu.make_async_copy(
            table_t_hbm.at[:, pl.ds(0, BLK)],
            blk_v.at[pl.ds(slot * EMBED_DIM, EMBED_DIM), :],
            sem,
        ).wait()

    iv0 = idx_v[pl.ds(0, GROUP)]
    cv0 = lax.shift_right_logical(iv0, 7)
    for l in range(NSLOT):
        fire(cv0[l], l)

    def body(g, _):
        k0 = g * GROUP
        iv = idx_v[pl.ds(k0, GROUP)]
        cv = lax.shift_right_logical(iv, 7)
        lv = jnp.bitwise_and(iv, BLK - 1)
        nk0 = jnp.minimum(k0 + GROUP, B_PER_W - GROUP)
        ivn = idx_v[pl.ds(nk0, GROUP)]
        cvn = lax.shift_right_logical(ivn, 7)
        for l in range(GROUP):
            slot = l % NSLOT
            wait_one(slot)
            lam = lv[l]
            col = jnp.full((16,), lam, jnp.int32)
            kk = jnp.full((16,), k0 + l, jnp.int32)
            for j in range(EMBED_DIM // 16):
                rows = slot * EMBED_DIM + j * 16 + lane
                v = plsc.load_gather(blk_v, [rows, col])
                plsc.store_scatter(val_v, [j * 16 + lane, kk], v)
            c2 = cv[l + NSLOT] if l < GROUP - NSLOT else cvn[l - (GROUP - NSLOT)]
            fire(c2, slot)
        return _

    lax.fori_loop(0, NGROUP, body, None)
    for l in range(NSLOT):
        wait_one(l)
    pltpu.sync_copy(val_v, out_t_hbm.at[:, pl.ds(base, B_PER_W)])


def kernel(i, table):
    idx = i.astype(jnp.int32)
    out_t = _gather_t(idx, table.T)
    return out_t.T[:, :, None]

# --- scband reference (transcript-rebuilt; emitter-appended) ---
"""Pipeline reference for scband-speaker-embedding-12232066859210 (READ-ONLY COPY).

The authoritative reference and input builder live on the scoring server;
editing this copy changes nothing except your own understanding.
"""

import jax, jax.numpy as jnp
import numpy as np

NUM_SPEAKERS = 1000000
EMBED_DIM = 64
BATCH = 16384

def setup_inputs(seed: int = 0) -> dict:
    key = jax.random.key(seed)
    k_idx, k_tab = jax.random.split(key)
    i = jax.random.randint(k_idx, (BATCH,), 0, NUM_SPEAKERS, dtype=jnp.int64 if jax.config.jax_enable_x64 else jnp.int32)
    table = jax.random.normal(k_tab, (NUM_SPEAKERS, EMBED_DIM), dtype=jnp.float32)
    return {"i": i, "table": table}

def reference(i, table):
    # x = self.embedding(i)
    x = jnp.take(table, i, axis=0)
    # x = x.unsqueeze(2)
    x = jnp.expand_dims(x, 2)
    return x

if __name__ == "__main__":
    import jax
    _d = setup_inputs()
    print(jax.jit(kernel)(*tuple(_d.values())))

</pallas_src>

<mosaic_0001>
#map = affine_map<(d0, d1) -> (0)>
#map1 = affine_map<(d0, d1) -> (0, 0)>
module attributes {stable_mosaic.version = 14 : i64} {
  func.func @_gather_t(%arg0: i32, %arg1: i32, %arg2: memref<16384xi32, #tpu.memory_space<hbm>>, %arg3: memref<64x1000000xf32, #tpu.memory_space<hbm>>, %arg4: memref<64x16384xf32, #tpu.memory_space<hbm>>, %arg5: memref<512xi32, #tpu.memory_space<vmem>>, %arg6: memref<512x128xf32, #tpu.memory_space<vmem>>, %arg7: memref<64x512xf32, #tpu.memory_space<vmem>>, %arg8: memref<!tpu.dma_semaphore, #tpu.memory_space<semaphore_mem>>) attributes {dimension_semantics = [#tpu.dimension_semantics<core_parallel>, #tpu.dimension_semantics<subcore_parallel>], iteration_bounds = array<i64: 2, 16>, scalar_prefetch = 0 : i64, scratch_operands = 4 : i64, tpu.core_type = #tpu.core_type<sc_vector_subcore>, window_params = [{transform_indices = #map}, {transform_indices = #map1}, {transform_indices = #map1}]} {
    %mul3A = arith.constant 2 : i32
    %mul3A_0 = arith.muli %arg1, %mul3A : i32
    %add3A = arith.addi %mul3A_0, %arg0 : i32
    %mul3A_1 = arith.constant 512 : i32
    %mul3A_2 = arith.muli %add3A, %mul3A_1 : i32
    %multiple_of3A = tpu.assume_multiple %mul3A_2, 512 : i32
    "tpu.region"() ({
      %run_scoped3A = tpu.sem_alloc : memref<!tpu.dma_semaphore, #tpu.memory_space<semaphore_mem>>
      %dma_start3A_222 = tpu.memref_slice %arg2[%multiple_of3A] : memref<16384xi32, #tpu.memory_space<hbm>> -> memref<512xi32, #tpu.memory_space<hbm>>
      %dma_start3A_223 = tpu.memref_slice %arg2[%multiple_of3A] : memref<16384xi32, #tpu.memory_space<hbm>> -> memref<512xi32, #tpu.memory_space<hbm>>
      tpu.enqueue_dma source(%dma_start3A_223 : memref<512xi32, #tpu.memory_space<hbm>>) target(%arg5 : memref<512xi32, #tpu.memory_space<vmem>>) target_semaphore(%run_scoped3A : memref<!tpu.dma_semaphore, #tpu.memory_space<semaphore_mem>>)
      %dma_wait3A_224 = tpu.memref_slice %arg2[%multiple_of3A] : memref<16384xi32, #tpu.memory_space<hbm>> -> memref<512xi32, #tpu.memory_space<hbm>>
      %dma_wait3A_225 = tpu.memref_slice %arg2[%multiple_of3A] : memref<16384xi32, #tpu.memory_space<hbm>> -> memref<512xi32, #tpu.memory_space<hbm>>
      tpu.wait_dma2 semaphore(%run_scoped3A : memref<!tpu.dma_semaphore, #tpu.memory_space<semaphore_mem>>) src(%dma_wait3A_225 : memref<512xi32, #tpu.memory_space<hbm>>) dst(%arg5 : memref<512xi32, #tpu.memory_space<vmem>>)
      tpu.yield
    }) : () -> ()
    %iota3A = tpu.iota {dimensions = array<i32: 0>} : vector<16xi32>
    %get3A = arith.constant 0 : index
    %get3A_3 = tpu.vector_load %arg5[%get3A] {strides = array<i32>} : memref<512xi32, #tpu.memory_space<vmem>>, vector<16xi32>,
    %shift_right_logical3A = arith.constant 7 : i32
    %shift_right_logical3A_4 = vector.broadcast %shift_right_logical3A : i32 to vector<16xi32>
    %shift_right_logical3A_5 = arith.shrui %get3A_3, %shift_right_logical3A_4 : vector<16xi32>
    %slice3A = vector.extract_strided_slice %shift_right_logical3A_5 {offsets = [0], sizes = [1], strides = [1]} : vector<16xi32> to vector<1xi32>
    %squeeze3A = vector.extract %slice3A[0] : i32 from vector<1xi32>
    %mul3A_6 = arith.constant 128 : i32
    %mul3A_7 = arith.muli %squeeze3A, %mul3A_6 : i32
    %multiple_of3A_8 = tpu.assume_multiple %mul3A_7, 128 : i32
    %dma_start3A = arith.constant 0 : i32
    %dma_start3A_9 = arith.constant 0 : i32
    %dma_start3A_10 = tpu.memref_slice %arg6[%dma_start3A, %dma_start3A_9] : memref<512x128xf32, #tpu.memory_space<vmem>> -> memref<64x128xf32, #tpu.memory_space<vmem>>
    %dma_start3A_11 = arith.constant 0 : i32
    %dma_start3A_12 = tpu.memref_slice %arg3[%dma_start3A_11, %multiple_of3A_8] : memref<64x1000000xf32, #tpu.memory_space<hbm>> -> memref<64x128xf32, #tpu.memory_space<hbm>>
    %dma_start3A_13 = arith.constant 0 : i32
    %dma_start3A_14 = arith.constant 0 : i32
    %dma_start3A_15 = tpu.memref_slice %arg6[%dma_start3A_13, %dma_start3A_14] : memref<512x128xf32, #tpu.memory_space<vmem>> -> memref<64x128xf32, #tpu.memory_space<vmem>>
    %dma_start3A_16 = arith.constant 0 : i32
    %dma_start3A_17 = tpu.memref_slice %arg3[%dma_start3A_16, %multiple_of3A_8] : memref<64x1000000xf32, #tpu.memory_space<hbm>> -> memref<64x128xf32, #tpu.memory_space<hbm>>
    tpu.enqueue_dma source(%dma_start3A_17 : memref<64x128xf32, #tpu.memory_space<hbm>>) target(%dma_start3A_15 : memref<64x128xf32, #tpu.memory_space<vmem>>) target_semaphore(%arg8 : memref<!tpu.dma_semaphore, #tpu.memory_space<semaphore_mem>>)
    %slice3A_18 = vector.extract_strided_slice %shift_right_logical3A_5 {offsets = [1], sizes = [1], strides = [1]} : vector<16xi32> to vector<1xi32>
    %squeeze3A_19 = vector.extract %slice3A_18[0] : i32 from vector<1xi32>
    %mul3A_20 = arith.constant 128 : i32
    %mul3A_21 = arith.muli %squeeze3A_19, %mul3A_20 : i32
    %multiple_of3A_22 = tpu.assume_multiple %mul3A_21, 128 : i32
    %dma_start3A_23 = arith.constant 64 : i32
    %dma_start3A_24 = arith.constant 0 : i32
    %dma_start3A_25 = tpu.memref_slice %arg6[%dma_start3A_23, %dma_start3A_24] : memref<512x128xf32, #tpu.memory_space<vmem>> -> memref<64x128xf32, #tpu.memory_space<vmem>>
    %dma_start3A_26 = arith.constant 0 : i32
    %dma_start3A_27 = tpu.memref_slice %arg3[%dma_start3A_26, %multiple_of3A_22] : memref<64x1000000xf32, #tpu.memory_space<hbm>> -> memref<64x128xf32, #tpu.memory_space<hbm>>
    %dma_start3A_28 = arith.constant 64 : i32
    %dma_start3A_29 = arith.constant 0 : i32
    %dma_start3A_30 = tpu.memref_slice %arg6[%dma_start3A_28, %dma_start3A_29] : memref<512x128xf32, #tpu.memory_space<vmem>> -> memref<64x128xf32, #tpu.memory_space<vmem>>
    %dma_start3A_31 = arith.constant 0 : i32
    %dma_start3A_32 = tpu.memref_slice %arg3[%dma_start3A_31, %multiple_of3A_22] : memref<64x1000000xf32, #tpu.memory_space<hbm>> -> memref<64x128xf32, #tpu.memory_space<hbm>>
    tpu.enqueue_dma source(%dma_start3A_32 : memref<64x128xf32, #tpu.memory_space<hbm>>) target(%dma_start3A_30 : memref<64x128xf32, #tpu.memory_space<vmem>>) target_semaphore(%arg8 : memref<!tpu.dma_semaphore, #tpu.memory_space<semaphore_mem>>)
    %slice3A_33 = vector.extract_strided_slice %shift_right_logical3A_5 {offsets = [2], sizes = [1], strides = [1]} : vector<16xi32> to vector<1xi32>
    %squeeze3A_34 = vector.extract %slice3A_33[0] : i32 from vector<1xi32>
    %mul3A_35 = arith.constant 128 : i32
    %mul3A_36 = arith.muli %squeeze3A_34, %mul3A_35 : i32
    %multiple_of3A_37 = tpu.assume_multiple %mul3A_36, 128 : i32
    %dma_start3A_38 = arith.constant 128 : i32
    %dma_start3A_39 = arith.constant 0 : i32
    %dma_start3A_40 = tpu.memref_slice %arg6[%dma_start3A_38, %dma_start3A_39] : memref<512x128xf32, #tpu.memory_space<vmem>> -> memref<64x128xf32, #tpu.memory_space<vmem>>
    %dma_start3A_41 = arith.constant 0 : i32
    %dma_start3A_42 = tpu.memref_slice %arg3[%dma_start3A_41, %multiple_of3A_37] : memref<64x1000000xf32, #tpu.memory_space<hbm>> -> memref<64x128xf32, #tpu.memory_space<hbm>>
    %dma_start3A_43 = arith.constant 128 : i32
    %dma_start3A_44 = arith.constant 0 : i32
    %dma_start3A_45 = tpu.memref_slice %arg6[%dma_start3A_43, %dma_start3A_44] : memref<512x128xf32, #tpu.memory_space<vmem>> -> memref<64x128xf32, #tpu.memory_space<vmem>>
    %dma_start3A_46 = arith.constant 0 : i32
    %dma_start3A_47 = tpu.memref_slice %arg3[%dma_start3A_46, %multiple_of3A_37] : memref<64x1000000xf32, #tpu.memory_space<hbm>> -> memref<64x128xf32, #tpu.memory_space<hbm>>
    tpu.enqueue_dma source(%dma_start3A_47 : memref<64x128xf32, #tpu.memory_space<hbm>>) target(%dma_start3A_45 : memref<64x128xf32, #tpu.memory_space<vmem>>) target_semaphore(%arg8 : memref<!tpu.dma_semaphore, #tpu.memory_space<semaphore_mem>>)
    %slice3A_48 = vector.extract_strided_slice %shift_right_logical3A_5 {offsets = [3], sizes = [1], strides = [1]} : vector<16xi32> to vector<1xi32>
    %squeeze3A_49 = vector.extract %slice3A_48[0] : i32 from vector<1xi32>
    %mul3A_50 = arith.constant 128 : i32
    %mul3A_51 = arith.muli %squeeze3A_49, %mul3A_50 : i32
    %multiple_of3A_52 = tpu.assume_multiple %mul3A_51, 128 : i32
    %dma_start3A_53 = arith.constant 192 : i32
    %dma_start3A_54 = arith.constant 0 : i32
    %dma_start3A_55 = tpu.memref_slice %arg6[%dma_start3A_53, %dma_start3A_54] : memref<512x128xf32, #tpu.memory_space<vmem>> -> memref<64x128xf32, #tpu.memory_space<vmem>>
    %dma_start3A_56 = arith.constant 0 : i32
    %dma_start3A_57 = tpu.memref_slice %arg3[%dma_start3A_56, %multiple_of3A_52] : memref<64x1000000xf32, #tpu.memory_space<hbm>> -> memref<64x128xf32, #tpu.memory_space<hbm>>
    %dma_start3A_58 = arith.constant 192 : i32
    %dma_start3A_59 = arith.constant 0 : i32
    %dma_start3A_60 = tpu.memref_slice %arg6[%dma_start3A_58, %dma_start3A_59] : memref<512x128xf32, #tpu.memory_space<vmem>> -> memref<64x128xf32, #tpu.memory_space<vmem>>
    %dma_start3A_61 = arith.constant 0 : i32
    %dma_start3A_62 = tpu.memref_slice %arg3[%dma_start3A_61, %multiple_of3A_52] : memref<64x1000000xf32, #tpu.memory_space<hbm>> -> memref<64x128xf32, #tpu.memory_space<hbm>>
    tpu.enqueue_dma source(%dma_start3A_62 : memref<64x128xf32, #tpu.memory_space<hbm>>) target(%dma_start3A_60 : memref<64x128xf32, #tpu.memory_space<vmem>>) target_semaphore(%arg8 : memref<!tpu.dma_semaphore, #tpu.memory_space<semaphore_mem>>)
    %slice3A_63 = vector.extract_strided_slice %shift_right_logical3A_5 {offsets = [4], sizes = [1], strides = [1]} : vector<16xi32> to vector<1xi32>
    %squeeze3A_64 = vector.extract %slice3A_63[0] : i32 from vector<1xi32>
    %mul3A_65 = arith.constant 128 : i32
    %mul3A_66 = arith.muli %squeeze3A_64, %mul3A_65 : i32
    %multiple_of3A_67 = tpu.assume_multiple %mul3A_66, 128 : i32
    %dma_start3A_68 = arith.constant 256 : i32
    %dma_start3A_69 = arith.constant 0 : i32
    %dma_start3A_70 = tpu.memref_slice %arg6[%dma_start3A_68, %dma_start3A_69] : memref<512x128xf32, #tpu.memory_space<vmem>> -> memref<64x128xf32, #tpu.memory_space<vmem>>
    %dma_start3A_71 = arith.constant 0 : i32
    %dma_start3A_72 = tpu.memref_slice %arg3[%dma_start3A_71, %multiple_of3A_67] : memref<64x1000000xf32, #tpu.memory_space<hbm>> -> memref<64x128xf32, #tpu.memory_space<hbm>>
    %dma_start3A_73 = arith.constant 256 : i32
    %dma_start3A_74 = arith.constant 0 : i32
    %dma_start3A_75 = tpu.memref_slice %arg6[%dma_start3A_73, %dma_start3A_74] : memref<512x128xf32, #tpu.memory_space<vmem>> -> memref<64x128xf32, #tpu.memory_space<vmem>>
    %dma_start3A_76 = arith.constant 0 : i32
    %dma_start3A_77 = tpu.memref_slice %arg3[%dma_start3A_76, %multiple_of3A_67] : memref<64x1000000xf32, #tpu.memory_space<hbm>> -> memref<64x128xf32, #tpu.memory_space<hbm>>
    tpu.enqueue_dma source(%dma_start3A_77 : memref<64x128xf32, #tpu.memory_space<hbm>>) target(%dma_start3A_75 : memref<64x128xf32, #tpu.memory_space<vmem>>) target_semaphore(%arg8 : memref<!tpu.dma_semaphore, #tpu.memory_space<semaphore_mem>>)
    %slice3A_78 = vector.extract_strided_slice %shift_right_logical3A_5 {offsets = [5], sizes = [1], strides = [1]} : vector<16xi32> to vector<1xi32>
    %squeeze3A_79 = vector.extract %slice3A_78[0] : i32 from vector<1xi32>
    %mul3A_80 = arith.constant 128 : i32
    %mul3A_81 = arith.muli %squeeze3A_79, %mul3A_80 : i32
    %multiple_of3A_82 = tpu.assume_multiple %mul3A_81, 128 : i32
    %dma_start3A_83 = arith.constant 320 : i32
    %dma_start3A_84 = arith.constant 0 : i32
    %dma_start3A_85 = tpu.memref_slice %arg6[%dma_start3A_83, %dma_start3A_84] : memref<512x128xf32, #tpu.memory_space<vmem>> -> memref<64x128xf32, #tpu.memory_space<vmem>>
    %dma_start3A_86 = arith.constant 0 : i32
    %dma_start3A_87 = tpu.memref_slice %arg3[%dma_start3A_86, %multiple_of3A_82] : memref<64x1000000xf32, #tpu.memory_space<hbm>> -> memref<64x128xf32, #tpu.memory_space<hbm>>
    %dma_start3A_88 = arith.constant 320 : i32
    %dma_start3A_89 = arith.constant 0 : i32
    %dma_start3A_90 = tpu.memref_slice %arg6[%dma_start3A_88, %dma_start3A_89] : memref<512x128xf32, #tpu.memory_space<vmem>> -> memref<64x128xf32, #tpu.memory_space<vmem>>
    %dma_start3A_91 = arith.constant 0 : i32
    %dma_start3A_92 = tpu.memref_slice %arg3[%dma_start3A_91, %multiple_of3A_82] : memref<64x1000000xf32, #tpu.memory_space<hbm>> -> memref<64x128xf32, #tpu.memory_space<hbm>>
    tpu.enqueue_dma source(%dma_start3A_92 : memref<64x128xf32, #tpu.memory_space<hbm>>) target(%dma_start3A_90 : memref<64x128xf32, #tpu.memory_space<vmem>>) target_semaphore(%arg8 : memref<!tpu.dma_semaphore, #tpu.memory_space<semaphore_mem>>)
    %slice3A_93 = vector.extract_strided_slice %shift_right_logical3A_5 {offsets = [6], sizes = [1], strides = [1]} : vector<16xi32> to vector<1xi32>
    %squeeze3A_94 = vector.extract %slice3A_93[0] : i32 from vector<1xi32>
    %mul3A_95 = arith.constant 128 : i32
    %mul3A_96 = arith.muli %squeeze3A_94, %mul3A_95 : i32
    %multiple_of3A_97 = tpu.assume_multiple %mul3A_96, 128 : i32
    %dma_start3A_98 = arith.constant 384 : i32
    %dma_start3A_99 = arith.constant 0 : i32
    %dma_start3A_100 = tpu.memref_slice %arg6[%dma_start3A_98, %dma_start3A_99] : memref<512x128xf32, #tpu.memory_space<vmem>> -> memref<64x128xf32, #tpu.memory_space<vmem>>
    %dma_start3A_101 = arith.constant 0 : i32
    %dma_start3A_102 = tpu.memref_slice %arg3[%dma_start3A_101, %multiple_of3A_97] : memref<64x1000000xf32, #tpu.memory_space<hbm>> -> memref<64x128xf32, #tpu.memory_space<hbm>>
    %dma_start3A_103 = arith.constant 384 : i32
    %dma_start3A_104 = arith.constant 0 : i32
    %dma_start3A_105 = tpu.memref_slice %arg6[%dma_start3A_103, %dma_start3A_104] : memref<512x128xf32, #tpu.memory_space<vmem>> -> memref<64x128xf32, #tpu.memory_space<vmem>>
    %dma_start3A_106 = arith.constant 0 : i32
    %dma_start3A_107 = tpu.memref_slice %arg3[%dma_start3A_106, %multiple_of3A_97] : memref<64x1000000xf32, #tpu.memory_space<hbm>> -> memref<64x128xf32, #tpu.memory_space<hbm>>
    tpu.enqueue_dma source(%dma_start3A_107 : memref<64x128xf32, #tpu.memory_space<hbm>>) target(%dma_start3A_105 : memref<64x128xf32, #tpu.memory_space<vmem>>) target_semaphore(%arg8 : memref<!tpu.dma_semaphore, #tpu.memory_space<semaphore_mem>>)
    %slice3A_108 = vector.extract_strided_slice %shift_right_logical3A_5 {offsets = [7], sizes = [1], strides = [1]} : vector<16xi32> to vector<1xi32>
    %squeeze3A_109 = vector.extract %slice3A_108[0] : i32 from vector<1xi32>
    %mul3A_110 = arith.constant 128 : i32
    %mul3A_111 = arith.muli %squeeze3A_109, %mul3A_110 : i32
    %multiple_of3A_112 = tpu.assume_multiple %mul3A_111, 128 : i32
    %dma_start3A_113 = arith.constant 448 : i32
    %dma_start3A_114 = arith.constant 0 : i32
    %dma_start3A_115 = tpu.memref_slice %arg6[%dma_start3A_113, %dma_start3A_114] : memref<512x128xf32, #tpu.memory_space<vmem>> -> memref<64x128xf32, #tpu.memory_space<vmem>>
    %dma_start3A_116 = arith.constant 0 : i32
    %dma_start3A_117 = tpu.memref_slice %arg3[%dma_start3A_116, %multiple_of3A_112] : memref<64x1000000xf32, #tpu.memory_space<hbm>> -> memref<64x128xf32, #tpu.memory_space<hbm>>
    %dma_start3A_118 = arith.constant 448 : i32
    %dma_start3A_119 = arith.constant 0 : i32
    %dma_start3A_120 = tpu.memref_slice %arg6[%dma_start3A_118, %dma_start3A_119] : memref<512x128xf32, #tpu.memory_space<vmem>> -> memref<64x128xf32, #tpu.memory_space<vmem>>
    %dma_start3A_121 = arith.constant 0 : i32
    %dma_start3A_122 = tpu.memref_slice %arg3[%dma_start3A_121, %multiple_of3A_112] : memref<64x1000000xf32, #tpu.memory_space<hbm>> -> memref<64x128xf32, #tpu.memory_space<hbm>>
    tpu.enqueue_dma source(%dma_start3A_122 : memref<64x128xf32, #tpu.memory_space<hbm>>) target(%dma_start3A_120 : memref<64x128xf32, #tpu.memory_space<vmem>>) target_semaphore(%arg8 : memref<!tpu.dma_semaphore, #tpu.memory_space<semaphore_mem>>)
    %scan3A = arith.constant 0 : i32
    %scan3A_123 = arith.constant 32 : i32
    %scan3A_124 = arith.addi %scan3A, %scan3A_123 : i32
    %scan3A_125 = arith.constant 1 : i32
    scf.for %scan3A_222 = %scan3A to %scan3A_124 step %scan3A_125  : i32 {
      %mul3A_223 = arith.constant 16 : i32
      %mul3A_224 = arith.muli %scan3A_222, %mul3A_223 : i32
      %get3A_225 = arith.index_cast %mul3A_224 : i32 to index
      %get3A_226 = tpu.vector_load %arg5[%get3A_225] {strides = array<i32>} : memref<512xi32, #tpu.memory_space<vmem>>, vector<16xi32>,
      %shift_right_logical3A_227 = arith.constant 7 : i32
      %shift_right_logical3A_228 = vector.broadcast %shift_right_logical3A_227 : i32 to vector<16xi32>
      %shift_right_logical3A_229 = arith.shrui %get3A_226, %shift_right_logical3A_228 : vector<16xi32>
      %and3A = arith.constant 127 : i32
      %and3A_230 = vector.broadcast %and3A : i32 to vector<16xi32>
      %and3A_231 = arith.andi %get3A_226, %and3A_230 : vector<16xi32>
      %add3A_232 = arith.constant 16 : i32
      %add3A_233 = arith.addi %mul3A_224, %add3A_232 : i32
      %min3A = arith.constant 496 : i32
      %min3A_234 = arith.minsi %add3A_233, %min3A : i32
      %get3A_235 = arith.index_cast %min3A_234 : i32 to index
      %get3A_236 = tpu.vector_load %arg5[%get3A_235] {strides = array<i32>} : memref<512xi32, #tpu.memory_space<vmem>>, vector<16xi32>,
      %shift_right_logical3A_237 = arith.constant 7 : i32
      %shift_right_logical3A_238 = vector.broadcast %shift_right_logical3A_237 : i32 to vector<16xi32>
      %shift_right_logical3A_239 = arith.shrui %get3A_236, %shift_right_logical3A_238 : vector<16xi32>
      %dma_wait3A_240 = arith.constant 0 : i32
      %dma_wait3A_241 = arith.constant 0 : i32
      %dma_wait3A_242 = tpu.memref_slice %arg6[%dma_wait3A_240, %dma_wait3A_241] : memref<512x128xf32, #tpu.memory_space<vmem>> -> memref<64x128xf32, #tpu.memory_space<vmem>>
      %dma_wait3A_243 = arith.constant 0 : i32
      %dma_wait3A_244 = arith.constant 0 : i32
      %dma_wait3A_245 = tpu.memref_slice %arg3[%dma_wait3A_243, %dma_wait3A_244] : memref<64x1000000xf32, #tpu.memory_space<hbm>> -> memref<64x128xf32, #tpu.memory_space<hbm>>
      %dma_wait3A_246 = arith.constant 0 : i32
      %dma_wait3A_247 = arith.constant 0 : i32
      %dma_wait3A_248 = tpu.memref_slice %arg6[%dma_wait3A_246, %dma_wait3A_247] : memref<512x128xf32, #tpu.memory_space<vmem>> -> memref<64x128xf32, #tpu.memory_space<vmem>>
      %dma_wait3A_249 = arith.constant 0 : i32
      %dma_wait3A_250 = arith.constant 0 : i32
      %dma_wait3A_251 = tpu.memref_slice %arg3[%dma_wait3A_249, %dma_wait3A_250] : memref<64x1000000xf32, #tpu.memory_space<hbm>> -> memref<64x128xf32, #tpu.memory_space<hbm>>
      tpu.wait_dma2 semaphore(%arg8 : memref<!tpu.dma_semaphore, #tpu.memory_space<semaphore_mem>>) src(%dma_wait3A_251 : memref<64x128xf32, #tpu.memory_space<hbm>>) dst(%dma_wait3A_248 : memref<64x128xf32, #tpu.memory_space<vmem>>)
      %slice3A_252 = vector.extract_strided_slice %and3A_231 {offsets = [0], sizes = [1], strides = [1]} : vector<16xi32> to vector<1xi32>
      %squeeze3A_253 = vector.extract %slice3A_252[0] : i32 from vector<1xi32>
      %broadcast_in_dim3A = vector.broadcast %squeeze3A_253 : i32 to vector<16xi32>
      %add3A_254 = arith.constant 0 : i32
      %add3A_255 = arith.addi %mul3A_224, %add3A_254 : i32
      %broadcast_in_dim3A_256 = vector.broadcast %add3A_255 : i32 to vector<16xi32>
      %add3A_257 = arith.constant 0 : i32
      %add3A_258 = vector.broadcast %add3A_257 : i32 to vector<16xi32>
      %add3A_259 = arith.addi %add3A_258, %iota3A : vector<16xi32>
      %gather3A = tpu.vector_load_idx %arg6[%add3A_259, %broadcast_in_dim3A] : memref<512x128xf32, #tpu.memory_space<vmem>>[vector<16xi32>, vector<16xi32>], vector<16xf32>,
      %add3A_260 = arith.constant 0 : i32
      %add3A_261 = vector.broadcast %add3A_260 : i32 to vector<16xi32>
      %add3A_262 = arith.addi %add3A_261, %iota3A : vector<16xi32>
      tpu.vector_store_idx %arg7[%add3A_262, %broadcast_in_dim3A_256], %gather3A : memref<64x512xf32, #tpu.memory_space<vmem>>[vector<16xi32>, vector<16xi32>], vector<16xf32>,
      %add3A_263 = arith.constant 16 : i32
      %add3A_264 = vector.broadcast %add3A_263 : i32 to vector<16xi32>
      %add3A_265 = arith.addi %add3A_264, %iota3A : vector<16xi32>
      %gather3A_266 = tpu.vector_load_idx %arg6[%add3A_265, %broadcast_in_dim3A] : memref<512x128xf32, #tpu.memory_space<vmem>>[vector<16xi32>, vector<16xi32>], vector<16xf32>,
      %add3A_267 = arith.constant 16 : i32
      %add3A_268 = vector.broadcast %add3A_267 : i32 to vector<16xi32>
      %add3A_269 = arith.addi %add3A_268, %iota3A : vector<16xi32>
      tpu.vector_store_idx %arg7[%add3A_269, %broadcast_in_dim3A_256], %gather3A_266 : memref<64x512xf32, #tpu.memory_space<vmem>>[vector<16xi32>, vector<16xi32>], vector<16xf32>,
      %add3A_270 = arith.constant 32 : i32
      %add3A_271 = vector.broadcast %add3A_270 : i32 to vector<16xi32>
      %add3A_272 = arith.addi %add3A_271, %iota3A : vector<16xi32>
      %gather3A_273 = tpu.vector_load_idx %arg6[%add3A_272, %broadcast_in_dim3A] : memref<512x128xf32, #tpu.memory_space<vmem>>[vector<16xi32>, vector<16xi32>], vector<16xf32>,
      %add3A_274 = arith.constant 32 : i32
      %add3A_275 = vector.broadcast %add3A_274 : i32 to vector<16xi32>
      %add3A_276 = arith.addi %add3A_275, %iota3A : vector<16xi32>
      tpu.vector_store_idx %arg7[%add3A_276, %broadcast_in_dim3A_256], %gather3A_273 : memref<64x512xf32, #tpu.memory_space<vmem>>[vector<16xi32>, vector<16xi32>], vector<16xf32>,
      %add3A_277 = arith.constant 48 : i32
      %add3A_278 = vector.broadcast %add3A_277 : i32 to vector<16xi32>
      %add3A_279 = arith.addi %add3A_278, %iota3A : vector<16xi32>
      %gather3A_280 = tpu.vector_load_idx %arg6[%add3A_279, %broadcast_in_dim3A] : memref<512x128xf32, #tpu.memory_space<vmem>>[vector<16xi32>, vector<16xi32>], vector<16xf32>,
      %add3A_281 = arith.constant 48 : i32
      %add3A_282 = vector.broadcast %add3A_281 : i32 to vector<16xi32>
      %add3A_283 = arith.addi %add3A_282, %iota3A : vector<16xi32>
      tpu.vector_store_idx %arg7[%add3A_283, %broadcast_in_dim3A_256], %gather3A_280 : memref<64x512xf32, #tpu.memory_space<vmem>>[vector<16xi32>, vector<16xi32>], vector<16xf32>,
      %slice3A_284 = vector.extract_strided_slice %shift_right_logical3A_229 {offsets = [8], sizes = [1], strides = [1]} : vector<16xi32> to vector<1xi32>
      %squeeze3A_285 = vector.extract %slice3A_284[0] : i32 from vector<1xi32>
      %mul3A_286 = arith.constant 128 : i32
      %mul3A_287 = arith.muli %squeeze3A_285, %mul3A_286 : i32
      %multiple_of3A_288 = tpu.assume_multiple %mul3A_287, 128 : i32
      %dma_start3A_289 = arith.constant 0 : i32
      %dma_start3A_290 = arith.constant 0 : i32
      %dma_start3A_291 = tpu.memref_slice %arg6[%dma_start3A_289, %dma_start3A_290] : memref<512x128xf32, #tpu.memory_space<vmem>> -> memref<64x128xf32, #tpu.memory_space<vmem>>
      %dma_start3A_292 = arith.constant 0 : i32
      %dma_start3A_293 = tpu.memref_slice %arg3[%dma_start3A_292, %multiple_of3A_288] : memref<64x1000000xf32, #tpu.memory_space<hbm>> -> memref<64x128xf32, #tpu.memory_space<hbm>>
      %dma_start3A_294 = arith.constant 0 : i32
      %dma_start3A_295 = arith.constant 0 : i32
      %dma_start3A_296 = tpu.memref_slice %arg6[%dma_start3A_294, %dma_start3A_295] : memref<512x128xf32, #tpu.memory_space<vmem>> -> memref<64x128xf32, #tpu.memory_space<vmem>>
      %dma_start3A_297 = arith.constant 0 : i32
      %dma_start3A_298 = tpu.memref_slice %arg3[%dma_start3A_297, %multiple_of3A_288] : memref<64x1000000xf32, #tpu.memory_space<hbm>> -> memref<64x128xf32, #tpu.memory_space<hbm>>
      tpu.enqueue_dma source(%dma_start3A_298 : memref<64x128xf32, #tpu.memory_space<hbm>>) target(%dma_start3A_296 : memref<64x128xf32, #tpu.memory_space<vmem>>) target_semaphore(%arg8 : memref<!tpu.dma_semaphore, #tpu.memory_space<semaphore_mem>>)
      %dma_wait3A_299 = arith.constant 64 : i32
      %dma_wait3A_300 = arith.constant 0 : i32
      %dma_wait3A_301 = tpu.memref_slice %arg6[%dma_wait3A_299, %dma_wait3A_300] : memref<512x128xf32, #tpu.memory_space<vmem>> -> memref<64x128xf32, #tpu.memory_space<vmem>>
      %dma_wait3A_302 = arith.constant 0 : i32
      %dma_wait3A_303 = arith.constant 0 : i32
      %dma_wait3A_304 = tpu.memref_slice %arg3[%dma_wait3A_302, %dma_wait3A_303] : memref<64x1000000xf32, #tpu.memory_space<hbm>> -> memref<64x128xf32, #tpu.memory_space<hbm>>
      %dma_wait3A_305 = arith.constant 64 : i32
      %dma_wait3A_306 = arith.constant 0 : i32
      %dma_wait3A_307 = tpu.memref_slice %arg6[%dma_wait3A_305, %dma_wait3A_306] : memref<512x128xf32, #tpu.memory_space<vmem>> -> memref<64x128xf32, #tpu.memory_space<vmem>>
      %dma_wait3A_308 = arith.constant 0 : i32
      %dma_wait3A_309 = arith.constant 0 : i32
      %dma_wait3A_310 = tpu.memref_slice %arg3[%dma_wait3A_308, %dma_wait3A_309] : memref<64x1000000xf32, #tpu.memory_space<hbm>> -> memref<64x128xf32, #tpu.memory_space<hbm>>
      tpu.wait_dma2 semaphore(%arg8 : memref<!tpu.dma_semaphore, #tpu.memory_space<semaphore_mem>>) src(%dma_wait3A_310 : memref<64x128xf32, #tpu.memory_space<hbm>>) dst(%dma_wait3A_307 : memref<64x128xf32, #tpu.memory_space<vmem>>)
      %slice3A_311 = vector.extract_strided_slice %and3A_231 {offsets = [1], sizes = [1], strides = [1]} : vector<16xi32> to vector<1xi32>
      %squeeze3A_312 = vector.extract %slice3A_311[0] : i32 from vector<1xi32>
      %broadcast_in_dim3A_313 = vector.broadcast %squeeze3A_312 : i32 to vector<16xi32>
      %add3A_314 = arith.constant 1 : i32
      %add3A_315 = arith.addi %mul3A_224, %add3A_314 : i32
      %broadcast_in_dim3A_316 = vector.broadcast %add3A_315 : i32 to vector<16xi32>
      %add3A_317 = arith.constant 64 : i32
      %add3A_318 = vector.broadcast %add3A_317 : i32 to vector<16xi32>
      %add3A_319 = arith.addi %add3A_318, %iota3A : vector<16xi32>
      %gather3A_320 = tpu.vector_load_idx %arg6[%add3A_319, %broadcast_in_dim3A_313] : memref<512x128xf32, #tpu.memory_space<vmem>>[vector<16xi32>, vector<16xi32>], vector<16xf32>,
      %add3A_321 = arith.constant 0 : i32
      %add3A_322 = vector.broadcast %add3A_321 : i32 to vector<16xi32>
      %add3A_323 = arith.addi %add3A_322, %iota3A : vector<16xi32>
      tpu.vector_store_idx %arg7[%add3A_323, %broadcast_in_dim3A_316], %gather3A_320 : memref<64x512xf32, #tpu.memory_space<vmem>>[vector<16xi32>, vector<16xi32>], vector<16xf32>,
      %add3A_324 = arith.constant 80 : i32
      %add3A_325 = vector.broadcast %add3A_324 : i32 to vector<16xi32>
      %add3A_326 = arith.addi %add3A_325, %iota3A : vector<16xi32>
      %gather3A_327 = tpu.vector_load_idx %arg6[%add3A_326, %broadcast_in_dim3A_313] : memref<512x128xf32, #tpu.memory_space<vmem>>[vector<16xi32>, vector<16xi32>], vector<16xf32>,
      %add3A_328 = arith.constant 16 : i32
      %add3A_329 = vector.broadcast %add3A_328 : i32 to vector<16xi32>
      %add3A_330 = arith.addi %add3A_329, %iota3A : vector<16xi32>
      tpu.vector_store_idx %arg7[%add3A_330, %broadcast_in_dim3A_316], %gather3A_327 : memref<64x512xf32, #tpu.memory_space<vmem>>[vector<16xi32>, vector<16xi32>], vector<16xf32>,
      %add3A_331 = arith.constant 96 : i32
      %add3A_332 = vector.broadcast %add3A_331 : i32 to vector<16xi32>
      %add3A_333 = arith.addi %add3A_332, %iota3A : vector<16xi32>
      %gather3A_334 = tpu.vector_load_idx %arg6[%add3A_333, %broadcast_in_dim3A_313] : memref<512x128xf32, #tpu.memory_space<vmem>>[vector<16xi32>, vector<16xi32>], vector<16xf32>,
      %add3A_335 = arith.constant 32 : i32
      %add3A_336 = vector.broadcast %add3A_335 : i32 to vector<16xi32>
      %add3A_337 = arith.addi %add3A_336, %iota3A : vector<16xi32>
      tpu.vector_store_idx %arg7[%add3A_337, %broadcast_in_dim3A_316], %gather3A_334 : memref<64x512xf32, #tpu.memory_space<vmem>>[vector<16xi32>, vector<16xi32>], vector<16xf32>,
      %add3A_338 = arith.constant 112 : i32
      %add3A_339 = vector.broadcast %add3A_338 : i32 to vector<16xi32>
      %add3A_340 = arith.addi %add3A_339, %iota3A : vector<16xi32>
      %gather3A_341 = tpu.vector_load_idx %arg6[%add3A_340, %broadcast_in_dim3A_313] : memref<512x128xf32, #tpu.memory_space<vmem>>[vector<16xi32>, vector<16xi32>], vector<16xf32>,
      %add3A_342 = arith.constant 48 : i32
      %add3A_343 = vector.broadcast %add3A_342 : i32 to vector<16xi32>
      %add3A_344 = arith.addi %add3A_343, %iota3A : vector<16xi32>
      tpu.vector_store_idx %arg7[%add3A_344, %broadcast_in_dim3A_316], %gather3A_341 : memref<64x512xf32, #tpu.memory_space<vmem>>[vector<16xi32>, vector<16xi32>], vector<16xf32>,
      %slice3A_345 = vector.extract_strided_slice %shift_right_logical3A_229 {offsets = [9], sizes = [1], strides = [1]} : vector<16xi32> to vector<1xi32>
      %squeeze3A_346 = vector.extract %slice3A_345[0] : i32 from vector<1xi32>
      %mul3A_347 = arith.constant 128 : i32
      %mul3A_348 = arith.muli %squeeze3A_346, %mul3A_347 : i32
      %multiple_of3A_349 = tpu.assume_multiple %mul3A_348, 128 : i32
      %dma_start3A_350 = arith.constant 64 : i32
      %dma_start3A_351 = arith.constant 0 : i32
      %dma_start3A_352 = tpu.memref_slice %arg6[%dma_start3A_350, %dma_start3A_351] : memref<512x128xf32, #tpu.memory_space<vmem>> -> memref<64x128xf32, #tpu.memory_space<vmem>>
      %dma_start3A_353 = arith.constant 0 : i32
      %dma_start3A_354 = tpu.memref_slice %arg3[%dma_start3A_353, %multiple_of3A_349] : memref<64x1000000xf32, #tpu.memory_space<hbm>> -> memref<64x128xf32, #tpu.memory_space<hbm>>
      %dma_start3A_355 = arith.constant 64 : i32
      %dma_start3A_356 = arith.constant 0 : i32
      %dma_start3A_357 = tpu.memref_slice %arg6[%dma_start3A_355, %dma_start3A_356] : memref<512x128xf32, #tpu.memory_space<vmem>> -> memref<64x128xf32, #tpu.memory_space<vmem>>
      %dma_start3A_358 = arith.constant 0 : i32
      %dma_start3A_359 = tpu.memref_slice %arg3[%dma_start3A_358, %multiple_of3A_349] : memref<64x1000000xf32, #tpu.memory_space<hbm>> -> memref<64x128xf32, #tpu.memory_space<hbm>>
      tpu.enqueue_dma source(%dma_start3A_359 : memref<64x128xf32, #tpu.memory_space<hbm>>) target(%dma_start3A_357 : memref<64x128xf32, #tpu.memory_space<vmem>>) target_semaphore(%arg8 : memref<!tpu.dma_semaphore, #tpu.memory_space<semaphore_mem>>)
      %dma_wait3A_360 = arith.constant 128 : i32
      %dma_wait3A_361 = arith.constant 0 : i32
      %dma_wait3A_362 = tpu.memref_slice %arg6[%dma_wait3A_360, %dma_wait3A_361] : memref<512x128xf32, #tpu.memory_space<vmem>> -> memref<64x128xf32, #tpu.memory_space<vmem>>
      %dma_wait3A_363 = arith.constant 0 : i32
      %dma_wait3A_364 = arith.constant 0 : i32
      %dma_wait3A_365 = tpu.memref_slice %arg3[%dma_wait3A_363, %dma_wait3A_364] : memref<64x1000000xf32, #tpu.memory_space<hbm>> -> memref<64x128xf32, #tpu.memory_space<hbm>>
      %dma_wait3A_366 = arith.constant 128 : i32
      %dma_wait3A_367 = arith.constant 0 : i32
      %dma_wait3A_368 = tpu.memref_slice %arg6[%dma_wait3A_366, %dma_wait3A_367] : memref<512x128xf32, #tpu.memory_space<vmem>> -> memref<64x128xf32, #tpu.memory_space<vmem>>
      %dma_wait3A_369 = arith.constant 0 : i32
      %dma_wait3A_370 = arith.constant 0 : i32
      %dma_wait3A_371 = tpu.memref_slice %arg3[%dma_wait3A_369, %dma_wait3A_370] : memref<64x1000000xf32, #tpu.memory_space<hbm>> -> memref<64x128xf32, #tpu.memory_space<hbm>>
      tpu.wait_dma2 semaphore(%arg8 : memref<!tpu.dma_semaphore, #tpu.memory_space<semaphore_mem>>) src(%dma_wait3A_371 : memref<64x128xf32, #tpu.memory_space<hbm>>) dst(%dma_wait3A_368 : memref<64x128xf32, #tpu.memory_space<vmem>>)
      %slice3A_372 = vector.extract_strided_slice %and3A_231 {offsets = [2], sizes = [1], strides = [1]} : vector<16xi32> to vector<1xi32>
      %squeeze3A_373 = vector.extract %slice3A_372[0] : i32 from vector<1xi32>
      %broadcast_in_dim3A_374 = vector.broadcast %squeeze3A_373 : i32 to vector<16xi32>
      %add3A_375 = arith.constant 2 : i32
      %add3A_376 = arith.addi %mul3A_224, %add3A_375 : i32
      %broadcast_in_dim3A_377 = vector.broadcast %add3A_376 : i32 to vector<16xi32>
      %add3A_378 = arith.constant 128 : i32
      %add3A_379 = vector.broadcast %add3A_378 : i32 to vector<16xi32>
      %add3A_380 = arith.addi %add3A_379, %iota3A : vector<16xi32>
      %gather3A_381 = tpu.vector_load_idx %arg6[%add3A_380, %broadcast_in_dim3A_374] : memref<512x128xf32, #tpu.memory_space<vmem>>[vector<16xi32>, vector<16xi32>], vector<16xf32>,
      %add3A_382 = arith.constant 0 : i32
      %add3A_383 = vector.broadcast %add3A_382 : i32 to vector<16xi32>
      %add3A_384 = arith.addi %add3A_383, %iota3A : vector<16xi32>
      tpu.vector_store_idx %arg7[%add3A_384, %broadcast_in_dim3A_377], %gather3A_381 : memref<64x512xf32, #tpu.memory_space<vmem>>[vector<16xi32>, vector<16xi32>], vector<16xf32>,
      %add3A_385 = arith.constant 144 : i32
      %add3A_386 = vector.broadcast %add3A_385 : i32 to vector<16xi32>
      %add3A_387 = arith.addi %add3A_386, %iota3A : vector<16xi32>
      %gather3A_388 = tpu.vector_load_idx %arg6[%add3A_387, %broadcast_in_dim3A_374] : memref<512x128xf32, #tpu.memory_space<vmem>>[vector<16xi32>, vector<16xi32>], vector<16xf32>,
      %add3A_389 = arith.constant 16 : i32
      %add3A_390 = vector.broadcast %add3A_389 : i32 to vector<16xi32>
      %add3A_391 = arith.addi %add3A_390, %iota3A : vector<16xi32>
      tpu.vector_store_idx %arg7[%add3A_391, %broadcast_in_dim3A_377], %gather3A_388 : memref<64x512xf32, #tpu.memory_space<vmem>>[vector<16xi32>, vector<16xi32>], vector<16xf32>,
      %add3A_392 = arith.constant 160 : i32
      %add3A_393 = vector.broadcast %add3A_392 : i32 to vector<16xi32>
      %add3A_394 = arith.addi %add3A_393, %iota3A : vector<16xi32>
      %gather3A_395 = tpu.vector_load_idx %arg6[%add3A_394, %broadcast_in_dim3A_374] : memref<512x128xf32, #tpu.memory_space<vmem>>[vector<16xi32>, vector<16xi32>], vector<16xf32>,
      %add3A_396 = arith.constant 32 : i32
      %add3A_397 = vector.broadcast %add3A_396 : i32 to vector<16xi32>
      %add3A_398 = arith.addi %add3A_397, %iota3A : vector<16xi32>
      tpu.vector_store_idx %arg7[%add3A_398, %broadcast_in_dim3A_377], %gather3A_395 : memref<64x512xf32, #tpu.memory_space<vmem>>[vector<16xi32>, vector<16xi32>], vector<16xf32>,
      %add3A_399 = arith.constant 176 : i32
      %add3A_400 = vector.broadcast %add3A_399 : i32 to vector<16xi32>
      %add3A_401 = arith.addi %add3A_400, %iota3A : vector<16xi32>
      %gather3A_402 = tpu.vector_load_idx %arg6[%add3A_401, %broadcast_in_dim3A_374] : memref<512x128xf32, #tpu.memory_space<vmem>>[vector<16xi32>, vector<16xi32>], vector<16xf32>,
      %add3A_403 = arith.constant 48 : i32
      %add3A_404 = vector.broadcast %add3A_403 : i32 to vector<16xi32>
      %add3A_405 = arith.addi %add3A_404, %iota3A : vector<16xi32>
      tpu.vector_store_idx %arg7[%add3A_405, %broadcast_in_dim3A_377], %gather3A_402 : memref<64x512xf32, #tpu.memory_space<vmem>>[vector<16xi32>, vector<16xi32>], vector<16xf32>,
      %slice3A_406 = vector.extract_strided_slice %shift_right_logical3A_229 {offsets = [10], sizes = [1], strides = [1]} : vector<16xi32> to vector<1xi32>
      %squeeze3A_407 = vector.extract %slice3A_406[0] : i32 from vector<1xi32>
      %mul3A_408 = arith.constant 128 : i32
      %mul3A_409 = arith.muli %squeeze3A_407, %mul3A_408 : i32
      %multiple_of3A_410 = tpu.assume_multiple %mul3A_409, 128 : i32
      %dma_start3A_411 = arith.constant 128 : i32
      %dma_start3A_412 = arith.constant 0 : i32
      %dma_start3A_413 = tpu.memref_slice %arg6[%dma_start3A_411, %dma_start3A_412] : memref<512x128xf32, #tpu.memory_space<vmem>> -> memref<64x128xf32, #tpu.memory_space<vmem>>
      %dma_start3A_414 = arith.constant 0 : i32
      %dma_start3A_415 = tpu.memref_slice %arg3[%dma_start3A_414, %multiple_of3A_410] : memref<64x1000000xf32, #tpu.memory_space<hbm>> -> memref<64x128xf32, #tpu.memory_space<hbm>>
      %dma_start3A_416 = arith.constant 128 : i32
      %dma_start3A_417 = arith.constant 0 : i32
      %dma_start3A_418 = tpu.memref_slice %arg6[%dma_start3A_416, %dma_start3A_417] : memref<512x128xf32, #tpu.memory_space<vmem>> -> memref<64x128xf32, #tpu.memory_space<vmem>>
      %dma_start3A_419 = arith.constant 0 : i32
      %dma_start3A_420 = tpu.memref_slice %arg3[%dma_start3A_419, %multiple_of3A_410] : memref<64x1000000xf32, #tpu.memory_space<hbm>> -> memref<64x128xf32, #tpu.memory_space<hbm>>
      tpu.enqueue_dma source(%dma_start3A_420 : memref<64x128xf32, #tpu.memory_space<hbm>>) target(%dma_start3A_418 : memref<64x128xf32, #tpu.memory_space<vmem>>) target_semaphore(%arg8 : memref<!tpu.dma_semaphore, #tpu.memory_space<semaphore_mem>>)
      %dma_wait3A_421 = arith.constant 192 : i32
      %dma_wait3A_422 = arith.constant 0 : i32
      %dma_wait3A_423 = tpu.memref_slice %arg6[%dma_wait3A_421, %dma_wait3A_422] : memref<512x128xf32, #tpu.memory_space<vmem>> -> memref<64x128xf32, #tpu.memory_space<vmem>>
      %dma_wait3A_424 = arith.constant 0 : i32
      %dma_wait3A_425 = arith.constant 0 : i32
      %dma_wait3A_426 = tpu.memref_slice %arg3[%dma_wait3A_424, %dma_wait3A_425] : memref<64x1000000xf32, #tpu.memory_space<hbm>> -> memref<64x128xf32, #tpu.memory_space<hbm>>
      %dma_wait3A_427 = arith.constant 192 : i32
      %dma_wait3A_428 = arith.constant 0 : i32
      %dma_wait3A_429 = tpu.memref_slice %arg6[%dma_wait3A_427, %dma_wait3A_428] : memref<512x128xf32, #tpu.memory_space<vmem>> -> memref<64x128xf32, #tpu.memory_space<vmem>>
      %dma_wait3A_430 = arith.constant 0 : i32
      %dma_wait3A_431 = arith.constant 0 : i32
      %dma_wait3A_432 = tpu.memref_slice %arg3[%dma_wait3A_430, %dma_wait3A_431] : memref<64x1000000xf32, #tpu.memory_space<hbm>> -> memref<64x128xf32, #tpu.memory_space<hbm>>
      tpu.wait_dma2 semaphore(%arg8 : memref<!tpu.dma_semaphore, #tpu.memory_space<semaphore_mem>>) src(%dma_wait3A_432 : memref<64x128xf32, #tpu.memory_space<hbm>>) dst(%dma_wait3A_429 : memref<64x128xf32, #tpu.memory_space<vmem>>)
      %slice3A_433 = vector.extract_strided_slice %and3A_231 {offsets = [3], sizes = [1], strides = [1]} : vector<16xi32> to vector<1xi32>
      %squeeze3A_434 = vector.extract %slice3A_433[0] : i32 from vector<1xi32>
      %broadcast_in_dim3A_435 = vector.broadcast %squeeze3A_434 : i32 to vector<16xi32>
      %add3A_436 = arith.constant 3 : i32
      %add3A_437 = arith.addi %mul3A_224, %add3A_436 : i32
      %broadcast_in_dim3A_438 = vector.broadcast %add3A_437 : i32 to vector<16xi32>
      %add3A_439 = arith.constant 192 : i32
      %add3A_440 = vector.broadcast %add3A_439 : i32 to vector<16xi32>
      %add3A_441 = arith.addi %add3A_440, %iota3A : vector<16xi32>
      %gather3A_442 = tpu.vector_load_idx %arg6[%add3A_441, %broadcast_in_dim3A_435] : memref<512x128xf32, #tpu.memory_space<vmem>>[vector<16xi32>, vector<16xi32>], vector<16xf32>,
      %add3A_443 = arith.constant 0 : i32
      %add3A_444 = vector.broadcast %add3A_443 : i32 to vector<16xi32>
      %add3A_445 = arith.addi %add3A_444, %iota3A : vector<16xi32>
      tpu.vector_store_idx %arg7[%add3A_445, %broadcast_in_dim3A_438], %gather3A_442 : memref<64x512xf32, #tpu.memory_space<vmem>>[vector<16xi32>, vector<16xi32>], vector<16xf32>,
      %add3A_446 = arith.constant 208 : i32
      %add3A_447 = vector.broadcast %add3A_446 : i32 to vector<16xi32>
      %add3A_448 = arith.addi %add3A_447, %iota3A : vector<16xi32>
      %gather3A_449 = tpu.vector_load_idx %arg6[%add3A_448, %broadcast_in_dim3A_435] : memref<512x128xf32, #tpu.memory_space<vmem>>[vector<16xi32>, vector<16xi32>], vector<16xf32>,
      %add3A_450 = arith.constant 16 : i32
      %add3A_451 = vector.broadcast %add3A_450 : i32 to vector<16xi32>
      %add3A_452 = arith.addi %add3A_451, %iota3A : vector<16xi32>
      tpu.vector_store_idx %arg7[%add3A_452, %broadcast_in_dim3A_438], %gather3A_449 : memref<64x512xf32, #tpu.memory_space<vmem>>[vector<16xi32>, vector<16xi32>], vector<16xf32>,
      %add3A_453 = arith.constant 224 : i32
      %add3A_454 = vector.broadcast %add3A_453 : i32 to vector<16xi32>
      %add3A_455 = arith.addi %add3A_454, %iota3A : vector<16xi32>
      %gather3A_456 = tpu.vector_load_idx %arg6[%add3A_455, %broadcast_in_dim3A_435] : memref<512x128xf32, #tpu.memory_space<vmem>>[vector<16xi32>, vector<16xi32>], vector<16xf32>,
      %add3A_457 = arith.constant 32 : i32
      %add3A_458 = vector.broadcast %add3A_457 : i32 to vector<16xi32>
      %add3A_459 = arith.addi %add3A_458, %iota3A : vector<16xi32>
      tpu.vector_store_idx %arg7[%add3A_459, %broadcast_in_dim3A_438], %gather3A_456 : memref<64x512xf32, #tpu.memory_space<vmem>>[vector<16xi32>, vector<16xi32>], vector<16xf32>,
      %add3A_460 = arith.constant 240 : i32
      %add3A_461 = vector.broadcast %add3A_460 : i32 to vector<16xi32>
      %add3A_462 = arith.addi %add3A_461, %iota3A : vector<16xi32>
      %gather3A_463 = tpu.vector_load_idx %arg6[%add3A_462, %broadcast_in_dim3A_435] : memref<512x128xf32, #tpu.memory_space<vmem>>[vector<16xi32>, vector<16xi32>], vector<16xf32>,
      %add3A_464 = arith.constant 48 : i32
      %add3A_465 = vector.broadcast %add3A_464 : i32 to vector<16xi32>
      %add3A_466 = arith.addi %add3A_465, %iota3A : vector<16xi32>
      tpu.vector_store_idx %arg7[%add3A_466, %broadcast_in_dim3A_438], %gather3A_463 : memref<64x512xf32, #tpu.memory_space<vmem>>[vector<16xi32>, vector<16xi32>], vector<16xf32>,
      %slice3A_467 = vector.extract_strided_slice %shift_right_logical3A_229 {offsets = [11], sizes = [1], strides = [1]} : vector<16xi32> to vector<1xi32>
      %squeeze3A_468 = vector.extract %slice3A_467[0] : i32 from vector<1xi32>
      %mul3A_469 = arith.constant 128 : i32
      %mul3A_470 = arith.muli %squeeze3A_468, %mul3A_469 : i32
      %multiple_of3A_471 = tpu.assume_multiple %mul3A_470, 128 : i32
      %dma_start3A_472 = arith.constant 192 : i32
      %dma_start3A_473 = arith.constant 0 : i32
      %dma_start3A_474 = tpu.memref_slice %arg6[%dma_start3A_472, %dma_start3A_473] : memref<512x128xf32, #tpu.memory_space<vmem>> -> memref<64x128xf32, #tpu.memory_space<vmem>>
      %dma_start3A_475 = arith.constant 0 : i32
      %dma_start3A_476 = tpu.memref_slice %arg3[%dma_start3A_475, %multiple_of3A_471] : memref<64x1000000xf32, #tpu.memory_space<hbm>> -> memref<64x128xf32, #tpu.memory_space<hbm>>
      %dma_start3A_477 = arith.constant 192 : i32
      %dma_start3A_478 = arith.constant 0 : i32
      %dma_start3A_479 = tpu.memref_slice %arg6[%dma_start3A_477, %dma_start3A_478] : memref<512x128xf32, #tpu.memory_space<vmem>> -> memref<64x128xf32, #tpu.memory_space<vmem>>
      %dma_start3A_480 = arith.constant 0 : i32
      %dma_start3A_481 = tpu.memref_slice %arg3[%dma_start3A_480, %multiple_of3A_471] : memref<64x1000000xf32, #tpu.memory_space<hbm>> -> memref<64x128xf32, #tpu.memory_space<hbm>>
      tpu.enqueue_dma source(%dma_start3A_481 : memref<64x128xf32, #tpu.memory_space<hbm>>) target(%dma_start3A_479 : memref<64x128xf32, #tpu.memory_space<vmem>>) target_semaphore(%arg8 : memref<!tpu.dma_semaphore, #tpu.memory_space<semaphore_mem>>)
      %dma_wait3A_482 = arith.constant 256 : i32
      %dma_wait3A_483 = arith.constant 0 : i32
      %dma_wait3A_484 = tpu.memref_slice %arg6[%dma_wait3A_482, %dma_wait3A_483] : memref<512x128xf32, #tpu.memory_space<vmem>> -> memref<64x128xf32, #tpu.memory_space<vmem>>
      %dma_wait3A_485 = arith.constant 0 : i32
      %dma_wait3A_486 = arith.constant 0 : i32
      %dma_wait3A_487 = tpu.memref_slice %arg3[%dma_wait3A_485, %dma_wait3A_486] : memref<64x1000000xf32, #tpu.memory_space<hbm>> -> memref<64x128xf32, #tpu.memory_space<hbm>>
      %dma_wait3A_488 = arith.constant 256 : i32
      %dma_wait3A_489 = arith.constant 0 : i32
      %dma_wait3A_490 = tpu.memref_slice %arg6[%dma_wait3A_488, %dma_wait3A_489] : memref<512x128xf32, #tpu.memory_space<vmem>> -> memref<64x128xf32, #tpu.memory_space<vmem>>
      %dma_wait3A_491 = arith.constant 0 : i32
      %dma_wait3A_492 = arith.constant 0 : i32
      %dma_wait3A_493 = tpu.memref_slice %arg3[%dma_wait3A_491, %dma_wait3A_492] : memref<64x1000000xf32, #tpu.memory_space<hbm>> -> memref<64x128xf32, #tpu.memory_space<hbm>>
      tpu.wait_dma2 semaphore(%arg8 : memref<!tpu.dma_semaphore, #tpu.memory_space<semaphore_mem>>) src(%dma_wait3A_493 : memref<64x128xf32, #tpu.memory_space<hbm>>) dst(%dma_wait3A_490 : memref<64x128xf32, #tpu.memory_space<vmem>>)
      %slice3A_494 = vector.extract_strided_slice %and3A_231 {offsets = [4], sizes = [1], strides = [1]} : vector<16xi32> to vector<1xi32>
      %squeeze3A_495 = vector.extract %slice3A_494[0] : i32 from vector<1xi32>
      %broadcast_in_dim3A_496 = vector.broadcast %squeeze3A_495 : i32 to vector<16xi32>
      %add3A_497 = arith.constant 4 : i32
      %add3A_498 = arith.addi %mul3A_224, %add3A_497 : i32
      %broadcast_in_dim3A_499 = vector.broadcast %add3A_498 : i32 to vector<16xi32>
      %add3A_500 = arith.constant 256 : i32
      %add3A_501 = vector.broadcast %add3A_500 : i32 to vector<16xi32>
      %add3A_502 = arith.addi %add3A_501, %iota3A : vector<16xi32>
      %gather3A_503 = tpu.vector_load_idx %arg6[%add3A_502, %broadcast_in_dim3A_496] : memref<512x128xf32, #tpu.memory_space<vmem>>[vector<16xi32>, vector<16xi32>], vector<16xf32>,
      %add3A_504 = arith.constant 0 : i32
      %add3A_505 = vector.broadcast %add3A_504 : i32 to vector<16xi32>
      %add3A_506 = arith.addi %add3A_505, %iota3A : vector<16xi32>
      tpu.vector_store_idx %arg7[%add3A_506, %broadcast_in_dim3A_499], %gather3A_503 : memref<64x512xf32, #tpu.memory_space<vmem>>[vector<16xi32>, vector<16xi32>], vector<16xf32>,
      %add3A_507 = arith.constant 272 : i32
      %add3A_508 = vector.broadcast %add3A_507 : i32 to vector<16xi32>
      %add3A_509 = arith.addi %add3A_508, %iota3A : vector<16xi32>
      %gather3A_510 = tpu.vector_load_idx %arg6[%add3A_509, %broadcast_in_dim3A_496] : memref<512x128xf32, #tpu.memory_space<vmem>>[vector<16xi32>, vector<16xi32>], vector<16xf32>,
      %add3A_511 = arith.constant 16 : i32
      %add3A_512 = vector.broadcast %add3A_511 : i32 to vector<16xi32>
      %add3A_513 = arith.addi %add3A_512, %iota3A : vector<16xi32>
      tpu.vector_store_idx %arg7[%add3A_513, %broadcast_in_dim3A_499], %gather3A_510 : memref<64x512xf32, #tpu.memory_space<vmem>>[vector<16xi32>, vector<16xi32>], vector<16xf32>,
      %add3A_514 = arith.constant 288 : i32
      %add3A_515 = vector.broadcast %add3A_514 : i32 to vector<16xi32>
      %add3A_516 = arith.addi %add3A_515, %iota3A : vector<16xi32>
      %gather3A_517 = tpu.vector_load_idx %arg6[%add3A_516, %broadcast_in_dim3A_496] : memref<512x128xf32, #tpu.memory_space<vmem>>[vector<16xi32>, vector<16xi32>], vector<16xf32>,
      %add3A_518 = arith.constant 32 : i32
      %add3A_519 = vector.broadcast %add3A_518 : i32 to vector<16xi32>
      %add3A_520 = arith.addi %add3A_519, %iota3A : vector<16xi32>
      tpu.vector_store_idx %arg7[%add3A_520, %broadcast_in_dim3A_499], %gather3A_517 : memref<64x512xf32, #tpu.memory_space<vmem>>[vector<16xi32>, vector<16xi32>], vector<16xf32>,
      %add3A_521 = arith.constant 304 : i32
      %add3A_522 = vector.broadcast %add3A_521 : i32 to vector<16xi32>
      %add3A_523 = arith.addi %add3A_522, %iota3A : vector<16xi32>
      %gather3A_524 = tpu.vector_load_idx %arg6[%add3A_523, %broadcast_in_dim3A_496] : memref<512x128xf32, #tpu.memory_space<vmem>>[vector<16xi32>, vector<16xi32>], vector<16xf32>,
      %add3A_525 = arith.constant 48 : i32
      %add3A_526 = vector.broadcast %add3A_525 : i32 to vector<16xi32>
      %add3A_527 = arith.addi %add3A_526, %iota3A : vector<16xi32>
      tpu.vector_store_idx %arg7[%add3A_527, %broadcast_in_dim3A_499], %gather3A_524 : memref<64x512xf32, #tpu.memory_space<vmem>>[vector<16xi32>, vector<16xi32>], vector<16xf32>,
      %slice3A_528 = vector.extract_strided_slice %shift_right_logical3A_229 {offsets = [12], sizes = [1], strides = [1]} : vector<16xi32> to vector<1xi32>
      %squeeze3A_529 = vector.extract %slice3A_528[0] : i32 from vector<1xi32>
      %mul3A_530 = arith.constant 128 : i32
      %mul3A_531 = arith.muli %squeeze3A_529, %mul3A_530 : i32
      %multiple_of3A_532 = tpu.assume_multiple %mul3A_531, 128 : i32
      %dma_start3A_533 = arith.constant 256 : i32
      %dma_start3A_534 = arith.constant 0 : i32
      %dma_start3A_535 = tpu.memref_slice %arg6[%dma_start3A_533, %dma_start3A_534] : memref<512x128xf32, #tpu.memory_space<vmem>> -> memref<64x128xf32, #tpu.memory_space<vmem>>
      %dma_start3A_536 = arith.constant 0 : i32
      %dma_start3A_537 = tpu.memref_slice %arg3[%dma_start3A_536, %multiple_of3A_532] : memref<64x1000000xf32, #tpu.memory_space<hbm>> -> memref<64x128xf32, #tpu.memory_space<hbm>>
      %dma_start3A_538 = arith.constant 256 : i32
      %dma_start3A_539 = arith.constant 0 : i32
      %dma_start3A_540 = tpu.memref_slice %arg6[%dma_start3A_538, %dma_start3A_539] : memref<512x128xf32, #tpu.memory_space<vmem>> -> memref<64x128xf32, #tpu.memory_space<vmem>>
      %dma_start3A_541 = arith.constant 0 : i32
      %dma_start3A_542 = tpu.memref_slice %arg3[%dma_start3A_541, %multiple_of3A_532] : memref<64x1000000xf32, #tpu.memory_space<hbm>> -> memref<64x128xf32, #tpu.memory_space<hbm>>
      tpu.enqueue_dma source(%dma_start3A_542 : memref<64x128xf32, #tpu.memory_space<hbm>>) target(%dma_start3A_540 : memref<64x128xf32, #tpu.memory_space<vmem>>) target_semaphore(%arg8 : memref<!tpu.dma_semaphore, #tpu.memory_space<semaphore_mem>>)
      %dma_wait3A_543 = arith.constant 320 : i32
      %dma_wait3A_544 = arith.constant 0 : i32
      %dma_wait3A_545 = tpu.memref_slice %arg6[%dma_wait3A_543, %dma_wait3A_544] : memref<512x128xf32, #tpu.memory_space<vmem>> -> memref<64x128xf32, #tpu.memory_space<vmem>>
      %dma_wait3A_546 = arith.constant 0 : i32
      %dma_wait3A_547 = arith.constant 0 : i32
      %dma_wait3A_548 = tpu.memref_slice %arg3[%dma_wait3A_546, %dma_wait3A_547] : memref<64x1000000xf32, #tpu.memory_space<hbm>> -> memref<64x128xf32, #tpu.memory_space<hbm>>
      %dma_wait3A_549 = arith.constant 320 : i32
      %dma_wait3A_550 = arith.constant 0 : i32
      %dma_wait3A_551 = tpu.memref_slice %arg6[%dma_wait3A_549, %dma_wait3A_550] : memref<512x128xf32, #tpu.memory_space<vmem>> -> memref<64x128xf32, #tpu.memory_space<vmem>>
      %dma_wait3A_552 = arith.constant 0 : i32
      %dma_wait3A_553 = arith.constant 0 : i32
      %dma_wait3A_554 = tpu.memref_slice %arg3[%dma_wait3A_552, %dma_wait3A_553] : memref<64x1000000xf32, #tpu.memory_space<hbm>> -> memref<64x128xf32, #tpu.memory_space<hbm>>
      tpu.wait_dma2 semaphore(%arg8 : memref<!tpu.dma_semaphore, #tpu.memory_space<semaphore_mem>>) src(%dma_wait3A_554 : memref<64x128xf32, #tpu.memory_space<hbm>>) dst(%dma_wait3A_551 : memref<64x128xf32, #tpu.memory_space<vmem>>)
      %slice3A_555 = vector.extract_strided_slice %and3A_231 {offsets = [5], sizes = [1], strides = [1]} : vector<16xi32> to vector<1xi32>
      %squeeze3A_556 = vector.extract %slice3A_555[0] : i32 from vector<1xi32>
      %broadcast_in_dim3A_557 = vector.broadcast %squeeze3A_556 : i32 to vector<16xi32>
      %add3A_558 = arith.constant 5 : i32
      %add3A_559 = arith.addi %mul3A_224, %add3A_558 : i32
      %broadcast_in_dim3A_560 = vector.broadcast %add3A_559 : i32 to vector<16xi32>
      %add3A_561 = arith.constant 320 : i32
      %add3A_562 = vector.broadcast %add3A_561 : i32 to vector<16xi32>
      %add3A_563 = arith.addi %add3A_562, %iota3A : vector<16xi32>
      %gather3A_564 = tpu.vector_load_idx %arg6[%add3A_563, %broadcast_in_dim3A_557] : memref<512x128xf32, #tpu.memory_space<vmem>>[vector<16xi32>, vector<16xi32>], vector<16xf32>,
      %add3A_565 = arith.constant 0 : i32
      %add3A_566 = vector.broadcast %add3A_565 : i32 to vector<16xi32>
      %add3A_567 = arith.addi %add3A_566, %iota3A : vector<16xi32>
      tpu.vector_store_idx %arg7[%add3A_567, %broadcast_in_dim3A_560], %gather3A_564 : memref<64x512xf32, #tpu.memory_space<vmem>>[vector<16xi32>, vector<16xi32>], vector<16xf32>,
      %add3A_568 = arith.constant 336 : i32
      %add3A_569 = vector.broadcast %add3A_568 : i32 to vector<16xi32>
      %add3A_570 = arith.addi %add3A_569, %iota3A : vector<16xi32>
      %gather3A_571 = tpu.vector_load_idx %arg6[%add3A_570, %broadcast_in_dim3A_557] : memref<512x128xf32, #tpu.memory_space<vmem>>[vector<16xi32>, vector<16xi32>], vector<16xf32>,
      %add3A_572 = arith.constant 16 : i32
      %add3A_573 = vector.broadcast %add3A_572 : i32 to vector<16xi32>
      %add3A_574 = arith.addi %add3A_573, %iota3A : vector<16xi32>
      tpu.vector_store_idx %arg7[%add3A_574, %broadcast_in_dim3A_560], %gather3A_571 : memref<64x512xf32, #tpu.memory_space<vmem>>[vector<16xi32>, vector<16xi32>], vector<16xf32>,
      %add3A_575 = arith.constant 352 : i32
      %add3A_576 = vector.broadcast %add3A_575 : i32 to vector<16xi32>
      %add3A_577 = arith.addi %add3A_576, %iota3A : vector<16xi32>
      %gather3A_578 = tpu.vector_load_idx %arg6[%add3A_577, %broadcast_in_dim3A_557] : memref<512x128xf32, #tpu.memory_space<vmem>>[vector<16xi32>, vector<16xi32>], vector<16xf32>,
      %add3A_579 = arith.constant 32 : i32
      %add3A_580 = vector.broadcast %add3A_579 : i32 to vector<16xi32>
      %add3A_581 = arith.addi %add3A_580, %iota3A : vector<16xi32>
      tpu.vector_store_idx %arg7[%add3A_581, %broadcast_in_dim3A_560], %gather3A_578 : memref<64x512xf32, #tpu.memory_space<vmem>>[vector<16xi32>, vector<16xi32>], vector<16xf32>,
      %add3A_582 = arith.constant 368 : i32
      %add3A_583 = vector.broadcast %add3A_582 : i32 to vector<16xi32>
      %add3A_584 = arith.addi %add3A_583, %iota3A : vector<16xi32>
      %gather3A_585 = tpu.vector_load_idx %arg6[%add3A_584, %broadcast_in_dim3A_557] : memref<512x128xf32, #tpu.memory_space<vmem>>[vector<16xi32>, vector<16xi32>], vector<16xf32>,
      %add3A_586 = arith.constant 48 : i32
      %add3A_587 = vector.broadcast %add3A_586 : i32 to vector<16xi32>
      %add3A_588 = arith.addi %add3A_587, %iota3A : vector<16xi32>
      tpu.vector_store_idx %arg7[%add3A_588, %broadcast_in_dim3A_560], %gather3A_585 : memref<64x512xf32, #tpu.memory_space<vmem>>[vector<16xi32>, vector<16xi32>], vector<16xf32>,
      %slice3A_589 = vector.extract_strided_slice %shift_right_logical3A_229 {offsets = [13], sizes = [1], strides = [1]} : vector<16xi32> to vector<1xi32>
      %squeeze3A_590 = vector.extract %slice3A_589[0] : i32 from vector<1xi32>
      %mul3A_591 = arith.constant 128 : i32
      %mul3A_592 = arith.muli %squeeze3A_590, %mul3A_591 : i32
      %multiple_of3A_593 = tpu.assume_multiple %mul3A_592, 128 : i32
      %dma_start3A_594 = arith.constant 320 : i32
      %dma_start3A_595 = arith.constant 0 : i32
      %dma_start3A_596 = tpu.memref_slice %arg6[%dma_start3A_594, %dma_start3A_595] : memref<512x128xf32, #tpu.memory_space<vmem>> -> memref<64x128xf32, #tpu.memory_space<vmem>>
      %dma_start3A_597 = arith.constant 0 : i32
      %dma_start3A_598 = tpu.memref_slice %arg3[%dma_start3A_597, %multiple_of3A_593] : memref<64x1000000xf32, #tpu.memory_space<hbm>> -> memref<64x128xf32, #tpu.memory_space<hbm>>
      %dma_start3A_599 = arith.constant 320 : i32
      %dma_start3A_600 = arith.constant 0 : i32
      %dma_start3A_601 = tpu.memref_slice %arg6[%dma_start3A_599, %dma_start3A_600] : memref<512x128xf32, #tpu.memory_space<vmem>> -> memref<64x128xf32, #tpu.memory_space<vmem>>
      %dma_start3A_602 = arith.constant 0 : i32
      %dma_start3A_603 = tpu.memref_slice %arg3[%dma_start3A_602, %multiple_of3A_593] : memref<64x1000000xf32, #tpu.memory_space<hbm>> -> memref<64x128xf32, #tpu.memory_space<hbm>>
      tpu.enqueue_dma source(%dma_start3A_603 : memref<64x128xf32, #tpu.memory_space<hbm>>) target(%dma_start3A_601 : memref<64x128xf32, #tpu.memory_space<vmem>>) target_semaphore(%arg8 : memref<!tpu.dma_semaphore, #tpu.memory_space<semaphore_mem>>)
      %dma_wait3A_604 = arith.constant 384 : i32
      %dma_wait3A_605 = arith.constant 0 : i32
      %dma_wait3A_606 = tpu.memref_slice %arg6[%dma_wait3A_604, %dma_wait3A_605] : memref<512x128xf32, #tpu.memory_space<vmem>> -> memref<64x128xf32, #tpu.memory_space<vmem>>
      %dma_wait3A_607 = arith.constant 0 : i32
      %dma_wait3A_608 = arith.constant 0 : i32
      %dma_wait3A_609 = tpu.memref_slice %arg3[%dma_wait3A_607, %dma_wait3A_608] : memref<64x1000000xf32, #tpu.memory_space<hbm>> -> memref<64x128xf32, #tpu.memory_space<hbm>>
      %dma_wait3A_610 = arith.constant 384 : i32
      %dma_wait3A_611 = arith.constant 0 : i32
      %dma_wait3A_612 = tpu.memref_slice %arg6[%dma_wait3A_610, %dma_wait3A_611] : memref<512x128xf32, #tpu.memory_space<vmem>> -> memref<64x128xf32, #tpu.memory_space<vmem>>
      %dma_wait3A_613 = arith.constant 0 : i32
      %dma_wait3A_614 = arith.constant 0 : i32
      %dma_wait3A_615 = tpu.memref_slice %arg3[%dma_wait3A_613, %dma_wait3A_614] : memref<64x1000000xf32, #tpu.memory_space<hbm>> -> memref<64x128xf32, #tpu.memory_space<hbm>>
      tpu.wait_dma2 semaphore(%arg8 : memref<!tpu.dma_semaphore, #tpu.memory_space<semaphore_mem>>) src(%dma_wait3A_615 : memref<64x128xf32, #tpu.memory_space<hbm>>) dst(%dma_wait3A_612 : memref<64x128xf32, #tpu.memory_space<vmem>>)
      %slice3A_616 = vector.extract_strided_slice %and3A_231 {offsets = [6], sizes = [1], strides = [1]} : vector<16xi32> to vector<1xi32>
      %squeeze3A_617 = vector.extract %slice3A_616[0] : i32 from vector<1xi32>
      %broadcast_in_dim3A_618 = vector.broadcast %squeeze3A_617 : i32 to vector<16xi32>
      %add3A_619 = arith.constant 6 : i32
      %add3A_620 = arith.addi %mul3A_224, %add3A_619 : i32
      %broadcast_in_dim3A_621 = vector.broadcast %add3A_620 : i32 to vector<16xi32>
      %add3A_622 = arith.constant 384 : i32
      %add3A_623 = vector.broadcast %add3A_622 : i32 to vector<16xi32>
      %add3A_624 = arith.addi %add3A_623, %iota3A : vector<16xi32>
      %gather3A_625 = tpu.vector_load_idx %arg6[%add3A_624, %broadcast_in_dim3A_618] : memref<512x128xf32, #tpu.memory_space<vmem>>[vector<16xi32>, vector<16xi32>], vector<16xf32>,
      %add3A_626 = arith.constant 0 : i32
      %add3A_627 = vector.broadcast %add3A_626 : i32 to vector<16xi32>
      %add3A_628 = arith.addi %add3A_627, %iota3A : vector<16xi32>
      tpu.vector_store_idx %arg7[%add3A_628, %broadcast_in_dim3A_621], %gather3A_625 : memref<64x512xf32, #tpu.memory_space<vmem>>[vector<16xi32>, vector<16xi32>], vector<16xf32>,
      %add3A_629 = arith.constant 400 : i32
      %add3A_630 = vector.broadcast %add3A_629 : i32 to vector<16xi32>
      %add3A_631 = arith.addi %add3A_630, %iota3A : vector<16xi32>
      %gather3A_632 = tpu.vector_load_idx %arg6[%add3A_631, %broadcast_in_dim3A_618] : memref<512x128xf32, #tpu.memory_space<vmem>>[vector<16xi32>, vector<16xi32>], vector<16xf32>,
      %add3A_633 = arith.constant 16 : i32
      %add3A_634 = vector.broadcast %add3A_633 : i32 to vector<16xi32>
      %add3A_635 = arith.addi %add3A_634, %iota3A : vector<16xi32>
      tpu.vector_store_idx %arg7[%add3A_635, %broadcast_in_dim3A_621], %gather3A_632 : memref<64x512xf32, #tpu.memory_space<vmem>>[vector<16xi32>, vector<16xi32>], vector<16xf32>,
      %add3A_636 = arith.constant 416 : i32
      %add3A_637 = vector.broadcast %add3A_636 : i32 to vector<16xi32>
      %add3A_638 = arith.addi %add3A_637, %iota3A : vector<16xi32>
      %gather3A_639 = tpu.vector_load_idx %arg6[%add3A_638, %broadcast_in_dim3A_618] : memref<512x128xf32, #tpu.memory_space<vmem>>[vector<16xi32>, vector<16xi32>], vector<16xf32>,
      %add3A_640 = arith.constant 32 : i32
      %add3A_641 = vector.broadcast %add3A_640 : i32 to vector<16xi32>
      %add3A_642 = arith.addi %add3A_641, %iota3A : vector<16xi32>
      tpu.vector_store_idx %arg7[%add3A_642, %broadcast_in_dim3A_621], %gather3A_639 : memref<64x512xf32, #tpu.memory_space<vmem>>[vector<16xi32>, vector<16xi32>], vector<16xf32>,
      %add3A_643 = arith.constant 432 : i32
      %add3A_644 = vector.broadcast %add3A_643 : i32 to vector<16xi32>
      %add3A_645 = arith.addi %add3A_644, %iota3A : vector<16xi32>
      %gather3A_646 = tpu.vector_load_idx %arg6[%add3A_645, %broadcast_in_dim3A_618] : memref<512x128xf32, #tpu.memory_space<vmem>>[vector<16xi32>, vector<16xi32>], vector<16xf32>,
      %add3A_647 = arith.constant 48 : i32
      %add3A_648 = vector.broadcast %add3A_647 : i32 to vector<16xi32>
      %add3A_649 = arith.addi %add3A_648, %iota3A : vector<16xi32>
      tpu.vector_store_idx %arg7[%add3A_649, %broadcast_in_dim3A_621], %gather3A_646 : memref<64x512xf32, #tpu.memory_space<vmem>>[vector<16xi32>, vector<16xi32>], vector<16xf32>,
      %slice3A_650 = vector.extract_strided_slice %shift_right_logical3A_229 {offsets = [14], sizes = [1], strides = [1]} : vector<16xi32> to vector<1xi32>
      %squeeze3A_651 = vector.extract %slice3A_650[0] : i32 from vector<1xi32>
      %mul3A_652 = arith.constant 128 : i32
      %mul3A_653 = arith.muli %squeeze3A_651, %mul3A_652 : i32
      %multiple_of3A_654 = tpu.assume_multiple %mul3A_653, 128 : i32
      %dma_start3A_655 = arith.constant 384 : i32
      %dma_start3A_656 = arith.constant 0 : i32
      %dma_start3A_657 = tpu.memref_slice %arg6[%dma_start3A_655, %dma_start3A_656] : memref<512x128xf32, #tpu.memory_space<vmem>> -> memref<64x128xf32, #tpu.memory_space<vmem>>
      %dma_start3A_658 = arith.constant 0 : i32
      %dma_start3A_659 = tpu.memref_slice %arg3[%dma_start3A_658, %multiple_of3A_654] : memref<64x1000000xf32, #tpu.memory_space<hbm>> -> memref<64x128xf32, #tpu.memory_space<hbm>>
      %dma_start3A_660 = arith.constant 384 : i32
      %dma_start3A_661 = arith.constant 0 : i32
      %dma_start3A_662 = tpu.memref_slice %arg6[%dma_start3A_660, %dma_start3A_661] : memref<512x128xf32, #tpu.memory_space<vmem>> -> memref<64x128xf32, #tpu.memory_space<vmem>>
      %dma_start3A_663 = arith.constant 0 : i32
      %dma_start3A_664 = tpu.memref_slice %arg3[%dma_start3A_663, %multiple_of3A_654] : memref<64x1000000xf32, #tpu.memory_space<hbm>> -> memref<64x128xf32, #tpu.memory_space<hbm>>
      tpu.enqueue_dma source(%dma_start3A_664 : memref<64x128xf32, #tpu.memory_space<hbm>>) target(%dma_start3A_662 : memref<64x128xf32, #tpu.memory_space<vmem>>) target_semaphore(%arg8 : memref<!tpu.dma_semaphore, #tpu.memory_space<semaphore_mem>>)
      %dma_wait3A_665 = arith.constant 448 : i32
      %dma_wait3A_666 = arith.constant 0 : i32
      %dma_wait3A_667 = tpu.memref_slice %arg6[%dma_wait3A_665, %dma_wait3A_666] : memref<512x128xf32, #tpu.memory_space<vmem>> -> memref<64x128xf32, #tpu.memory_space<vmem>>
      %dma_wait3A_668 = arith.constant 0 : i32
      %dma_wait3A_669 = arith.constant 0 : i32
      %dma_wait3A_670 = tpu.memref_slice %arg3[%dma_wait3A_668, %dma_wait3A_669] : memref<64x1000000xf32, #tpu.memory_space<hbm>> -> memref<64x128xf32, #tpu.memory_space<hbm>>
      %dma_wait3A_671 = arith.constant 448 : i32
      %dma_wait3A_672 = arith.constant 0 : i32
      %dma_wait3A_673 = tpu.memref_slice %arg6[%dma_wait3A_671, %dma_wait3A_672] : memref<512x128xf32, #tpu.memory_space<vmem>> -> memref<64x128xf32, #tpu.memory_space<vmem>>
      %dma_wait3A_674 = arith.constant 0 : i32
      %dma_wait3A_675 = arith.constant 0 : i32
      %dma_wait3A_676 = tpu.memref_slice %arg3[%dma_wait3A_674, %dma_wait3A_675] : memref<64x1000000xf32, #tpu.memory_space<hbm>> -> memref<64x128xf32, #tpu.memory_space<hbm>>
      tpu.wait_dma2 semaphore(%arg8 : memref<!tpu.dma_semaphore, #tpu.memory_space<semaphore_mem>>) src(%dma_wait3A_676 : memref<64x128xf32, #tpu.memory_space<hbm>>) dst(%dma_wait3A_673 : memref<64x128xf32, #tpu.memory_space<vmem>>)
      %slice3A_677 = vector.extract_strided_slice %and3A_231 {offsets = [7], sizes = [1], strides = [1]} : vector<16xi32> to vector<1xi32>
      %squeeze3A_678 = vector.extract %slice3A_677[0] : i32 from vector<1xi32>
      %broadcast_in_dim3A_679 = vector.broadcast %squeeze3A_678 : i32 to vector<16xi32>
      %add3A_680 = arith.constant 7 : i32
      %add3A_681 = arith.addi %mul3A_224, %add3A_680 : i32
      %broadcast_in_dim3A_682 = vector.broadcast %add3A_681 : i32 to vector<16xi32>
      %add3A_683 = arith.constant 448 : i32
      %add3A_684 = vector.broadcast %add3A_683 : i32 to vector<16xi32>
      %add3A_685 = arith.addi %add3A_684, %iota3A : vector<16xi32>
      %gather3A_686 = tpu.vector_load_idx %arg6[%add3A_685, %broadcast_in_dim3A_679] : memref<512x128xf32, #tpu.memory_space<vmem>>[vector<16xi32>, vector<16xi32>], vector<16xf32>,
      %add3A_687 = arith.constant 0 : i32
      %add3A_688 = vector.broadcast %add3A_687 : i32 to vector<16xi32>
      %add3A_689 = arith.addi %add3A_688, %iota3A : vector<16xi32>
      tpu.vector_store_idx %arg7[%add3A_689, %broadcast_in_dim3A_682], %gather3A_686 : memref<64x512xf32, #tpu.memory_space<vmem>>[vector<16xi32>, vector<16xi32>], vector<16xf32>,
      %add3A_690 = arith.constant 464 : i32
      %add3A_691 = vector.broadcast %add3A_690 : i32 to vector<16xi32>
      %add3A_692 = arith.addi %add3A_691, %iota3A : vector<16xi32>
      %gather3A_693 = tpu.vector_load_idx %arg6[%add3A_692, %broadcast_in_dim3A_679] : memref<512x128xf32, #tpu.memory_space<vmem>>[vector<16xi32>, vector<16xi32>], vector<16xf32>,
      %add3A_694 = arith.constant 16 : i32
      %add3A_695 = vector.broadcast %add3A_694 : i32 to vector<16xi32>
      %add3A_696 = arith.addi %add3A_695, %iota3A : vector<16xi32>
      tpu.vector_store_idx %arg7[%add3A_696, %broadcast_in_dim3A_682], %gather3A_693 : memref<64x512xf32, #tpu.memory_space<vmem>>[vector<16xi32>, vector<16xi32>], vector<16xf32>,
      %add3A_697 = arith.constant 480 : i32
      %add3A_698 = vector.broadcast %add3A_697 : i32 to vector<16xi32>
      %add3A_699 = arith.addi %add3A_698, %iota3A : vector<16xi32>
      %gather3A_700 = tpu.vector_load_idx %arg6[%add3A_699, %broadcast_in_dim3A_679] : memref<512x128xf32, #tpu.memory_space<vmem>>[vector<16xi32>, vector<16xi32>], vector<16xf32>,
      %add3A_701 = arith.constant 32 : i32
      %add3A_702 = vector.broadcast %add3A_701 : i32 to vector<16xi32>
      %add3A_703 = arith.addi %add3A_702, %iota3A : vector<16xi32>
      tpu.vector_store_idx %arg7[%add3A_703, %broadcast_in_dim3A_682], %gather3A_700 : memref<64x512xf32, #tpu.memory_space<vmem>>[vector<16xi32>, vector<16xi32>], vector<16xf32>,
      %add3A_704 = arith.constant 496 : i32
      %add3A_705 = vector.broadcast %add3A_704 : i32 to vector<16xi32>
      %add3A_706 = arith.addi %add3A_705, %iota3A : vector<16xi32>
      %gather3A_707 = tpu.vector_load_idx %arg6[%add3A_706, %broadcast_in_dim3A_679] : memref<512x128xf32, #tpu.memory_space<vmem>>[vector<16xi32>, vector<16xi32>], vector<16xf32>,
      %add3A_708 = arith.constant 48 : i32
      %add3A_709 = vector.broadcast %add3A_708 : i32 to vector<16xi32>
      %add3A_710 = arith.addi %add3A_709, %iota3A : vector<16xi32>
      tpu.vector_store_idx %arg7[%add3A_710, %broadcast_in_dim3A_682], %gather3A_707 : memref<64x512xf32, #tpu.memory_space<vmem>>[vector<16xi32>, vector<16xi32>], vector<16xf32>,
      %slice3A_711 = vector.extract_strided_slice %shift_right_logical3A_229 {offsets = [15], sizes = [1], strides = [1]} : vector<16xi32> to vector<1xi32>
      %squeeze3A_712 = vector.extract %slice3A_711[0] : i32 from vector<1xi32>
      %mul3A_713 = arith.constant 128 : i32
      %mul3A_714 = arith.muli %squeeze3A_712, %mul3A_713 : i32
      %multiple_of3A_715 = tpu.assume_multiple %mul3A_714, 128 : i32
      %dma_start3A_716 = arith.constant 448 : i32
      %dma_start3A_717 = arith.constant 0 : i32
      %dma_start3A_718 = tpu.memref_slice %arg6[%dma_start3A_716, %dma_start3A_717] : memref<512x128xf32, #tpu.memory_space<vmem>> -> memref<64x128xf32, #tpu.memory_space<vmem>>
      %dma_start3A_719 = arith.constant 0 : i32
      %dma_start3A_720 = tpu.memref_slice %arg3[%dma_start3A_719, %multiple_of3A_715] : memref<64x1000000xf32, #tpu.memory_space<hbm>> -> memref<64x128xf32, #tpu.memory_space<hbm>>
      %dma_start3A_721 = arith.constant 448 : i32
      %dma_start3A_722 = arith.constant 0 : i32
      %dma_start3A_723 = tpu.memref_slice %arg6[%dma_start3A_721, %dma_start3A_722] : memref<512x128xf32, #tpu.memory_space<vmem>> -> memref<64x128xf32, #tpu.memory_space<vmem>>
      %dma_start3A_724 = arith.constant 0 : i32
      %dma_start3A_725 = tpu.memref_slice %arg3[%dma_start3A_724, %multiple_of3A_715] : memref<64x1000000xf32, #tpu.memory_space<hbm>> -> memref<64x128xf32, #tpu.memory_space<hbm>>
      tpu.enqueue_dma source(%dma_start3A_725 : memref<64x128xf32, #tpu.memory_space<hbm>>) target(%dma_start3A_723 : memref<64x128xf32, #tpu.memory_space<vmem>>) target_semaphore(%arg8 : memref<!tpu.dma_semaphore, #tpu.memory_space<semaphore_mem>>)
      %dma_wait3A_726 = arith.constant 0 : i32
      %dma_wait3A_727 = arith.constant 0 : i32
      %dma_wait3A_728 = tpu.memref_slice %arg6[%dma_wait3A_726, %dma_wait3A_727] : memref<512x128xf32, #tpu.memory_space<vmem>> -> memref<64x128xf32, #tpu.memory_space<vmem>>
      %dma_wait3A_729 = arith.constant 0 : i32
      %dma_wait3A_730 = arith.constant 0 : i32
      %dma_wait3A_731 = tpu.memref_slice %arg3[%dma_wait3A_729, %dma_wait3A_730] : memref<64x1000000xf32, #tpu.memory_space<hbm>> -> memref<64x128xf32, #tpu.memory_space<hbm>>
      %dma_wait3A_732 = arith.constant 0 : i32
      %dma_wait3A_733 = arith.constant 0 : i32
      %dma_wait3A_734 = tpu.memref_slice %arg6[%dma_wait3A_732, %dma_wait3A_733] : memref<512x128xf32, #tpu.memory_space<vmem>> -> memref<64x128xf32, #tpu.memory_space<vmem>>
      %dma_wait3A_735 = arith.constant 0 : i32
      %dma_wait3A_736 = arith.constant 0 : i32
      %dma_wait3A_737 = tpu.memref_slice %arg3[%dma_wait3A_735, %dma_wait3A_736] : memref<64x1000000xf32, #tpu.memory_space<hbm>> -> memref<64x128xf32, #tpu.memory_space<hbm>>
      tpu.wait_dma2 semaphore(%arg8 : memref<!tpu.dma_semaphore, #tpu.memory_space<semaphore_mem>>) src(%dma_wait3A_737 : memref<64x128xf32, #tpu.memory_space<hbm>>) dst(%dma_wait3A_734 : memref<64x128xf32, #tpu.memory_space<vmem>>)
      %slice3A_738 = vector.extract_strided_slice %and3A_231 {offsets = [8], sizes = [1], strides = [1]} : vector<16xi32> to vector<1xi32>
      %squeeze3A_739 = vector.extract %slice3A_738[0] : i32 from vector<1xi32>
      %broadcast_in_dim3A_740 = vector.broadcast %squeeze3A_739 : i32 to vector<16xi32>
      %add3A_741 = arith.constant 8 : i32
      %add3A_742 = arith.addi %mul3A_224, %add3A_741 : i32
      %broadcast_in_dim3A_743 = vector.broadcast %add3A_742 : i32 to vector<16xi32>
      %add3A_744 = arith.constant 0 : i32
      %add3A_745 = vector.broadcast %add3A_744 : i32 to vector<16xi32>
      %add3A_746 = arith.addi %add3A_745, %iota3A : vector<16xi32>
      %gather3A_747 = tpu.vector_load_idx %arg6[%add3A_746, %broadcast_in_dim3A_740] : memref<512x128xf32, #tpu.memory_space<vmem>>[vector<16xi32>, vector<16xi32>], vector<16xf32>,
      %add3A_748 = arith.constant 0 : i32
      %add3A_749 = vector.broadcast %add3A_748 : i32 to vector<16xi32>
      %add3A_750 = arith.addi %add3A_749, %iota3A : vector<16xi32>
      tpu.vector_store_idx %arg7[%add3A_750, %broadcast_in_dim3A_743], %gather3A_747 : memref<64x512xf32, #tpu.memory_space<vmem>>[vector<16xi32>, vector<16xi32>], vector<16xf32>,
      %add3A_751 = arith.constant 16 : i32
      %add3A_752 = vector.broadcast %add3A_751 : i32 to vector<16xi32>
      %add3A_753 = arith.addi %add3A_752, %iota3A : vector<16xi32>
      %gather3A_754 = tpu.vector_load_idx %arg6[%add3A_753, %broadcast_in_dim3A_740] : memref<512x128xf32, #tpu.memory_space<vmem>>[vector<16xi32>, vector<16xi32>], vector<16xf32>,
      %add3A_755 = arith.constant 16 : i32
      %add3A_756 = vector.broadcast %add3A_755 : i32 to vector<16xi32>
      %add3A_757 = arith.addi %add3A_756, %iota3A : vector<16xi32>
      tpu.vector_store_idx %arg7[%add3A_757, %broadcast_in_dim3A_743], %gather3A_754 : memref<64x512xf32, #tpu.memory_space<vmem>>[vector<16xi32>, vector<16xi32>], vector<16xf32>,
      %add3A_758 = arith.constant 32 : i32
      %add3A_759 = vector.broadcast %add3A_758 : i32 to vector<16xi32>
      %add3A_760 = arith.addi %add3A_759, %iota3A : vector<16xi32>
      %gather3A_761 = tpu.vector_load_idx %arg6[%add3A_760, %broadcast_in_dim3A_740] : memref<512x128xf32, #tpu.memory_space<vmem>>[vector<16xi32>, vector<16xi32>], vector<16xf32>,
      %add3A_762 = arith.constant 32 : i32
      %add3A_763 = vector.broadcast %add3A_762 : i32 to vector<16xi32>
      %add3A_764 = arith.addi %add3A_763, %iota3A : vector<16xi32>
      tpu.vector_store_idx %arg7[%add3A_764, %broadcast_in_dim3A_743], %gather3A_761 : memref<64x512xf32, #tpu.memory_space<vmem>>[vector<16xi32>, vector<16xi32>], vector<16xf32>,
      %add3A_765 = arith.constant 48 : i32
      %add3A_766 = vector.broadcast %add3A_765 : i32 to vector<16xi32>
      %add3A_767 = arith.addi %add3A_766, %iota3A : vector<16xi32>
      %gather3A_768 = tpu.vector_load_idx %arg6[%add3A_767, %broadcast_in_dim3A_740] : memref<512x128xf32, #tpu.memory_space<vmem>>[vector<16xi32>, vector<16xi32>], vector<16xf32>,
      %add3A_769 = arith.constant 48 : i32
      %add3A_770 = vector.broadcast %add3A_769 : i32 to vector<16xi32>
      %add3A_771 = arith.addi %add3A_770, %iota3A : vector<16xi32>
      tpu.vector_store_idx %arg7[%add3A_771, %broadcast_in_dim3A_743], %gather3A_768 : memref<64x512xf32, #tpu.memory_space<vmem>>[vector<16xi32>, vector<16xi32>], vector<16xf32>,
      %slice3A_772 = vector.extract_strided_slice %shift_right_logical3A_239 {offsets = [0], sizes = [1], strides = [1]} : vector<16xi32> to vector<1xi32>
      %squeeze3A_773 = vector.extract %slice3A_772[0] : i32 from vector<1xi32>
      %mul3A_774 = arith.constant 128 : i32
      %mul3A_775 = arith.muli %squeeze3A_773, %mul3A_774 : i32
      %multiple_of3A_776 = tpu.assume_multiple %mul3A_775, 128 : i32
      %dma_start3A_777 = arith.constant 0 : i32
      %dma_start3A_778 = arith.constant 0 : i32
      %dma_start3A_779 = tpu.memref_slice %arg6[%dma_start3A_777, %dma_start3A_778] : memref<512x128xf32, #tpu.memory_space<vmem>> -> memref<64x128xf32, #tpu.memory_space<vmem>>
      %dma_start3A_780 = arith.constant 0 : i32
      %dma_start3A_781 = tpu.memref_slice %arg3[%dma_start3A_780, %multiple_of3A_776] : memref<64x1000000xf32, #tpu.memory_space<hbm>> -> memref<64x128xf32, #tpu.memory_space<hbm>>
      %dma_start3A_782 = arith.constant 0 : i32
      %dma_start3A_783 = arith.constant 0 : i32
      %dma_start3A_784 = tpu.memref_slice %arg6[%dma_start3A_782, %dma_start3A_783] : memref<512x128xf32, #tpu.memory_space<vmem>> -> memref<64x128xf32, #tpu.memory_space<vmem>>
      %dma_start3A_785 = arith.constant 0 : i32
      %dma_start3A_786 = tpu.memref_slice %arg3[%dma_start3A_785, %multiple_of3A_776] : memref<64x1000000xf32, #tpu.memory_space<hbm>> -> memref<64x128xf32, #tpu.memory_space<hbm>>
      tpu.enqueue_dma source(%dma_start3A_786 : memref<64x128xf32, #tpu.memory_space<hbm>>) target(%dma_start3A_784 : memref<64x128xf32, #tpu.memory_space<vmem>>) target_semaphore(%arg8 : memref<!tpu.dma_semaphore, #tpu.memory_space<semaphore_mem>>)
      %dma_wait3A_787 = arith.constant 64 : i32
      %dma_wait3A_788 = arith.constant 0 : i32
      %dma_wait3A_789 = tpu.memref_slice %arg6[%dma_wait3A_787, %dma_wait3A_788] : memref<512x128xf32, #tpu.memory_space<vmem>> -> memref<64x128xf32, #tpu.memory_space<vmem>>
      %dma_wait3A_790 = arith.constant 0 : i32
      %dma_wait3A_791 = arith.constant 0 : i32
      %dma_wait3A_792 = tpu.memref_slice %arg3[%dma_wait3A_790, %dma_wait3A_791] : memref<64x1000000xf32, #tpu.memory_space<hbm>> -> memref<64x128xf32, #tpu.memory_space<hbm>>
      %dma_wait3A_793 = arith.constant 64 : i32
      %dma_wait3A_794 = arith.constant 0 : i32
      %dma_wait3A_795 = tpu.memref_slice %arg6[%dma_wait3A_793, %dma_wait3A_794] : memref<512x128xf32, #tpu.memory_space<vmem>> -> memref<64x128xf32, #tpu.memory_space<vmem>>
      %dma_wait3A_796 = arith.constant 0 : i32
      %dma_wait3A_797 = arith.constant 0 : i32
      %dma_wait3A_798 = tpu.memref_slice %arg3[%dma_wait3A_796, %dma_wait3A_797] : memref<64x1000000xf32, #tpu.memory_space<hbm>> -> memref<64x128xf32, #tpu.memory_space<hbm>>
      tpu.wait_dma2 semaphore(%arg8 : memref<!tpu.dma_semaphore, #tpu.memory_space<semaphore_mem>>) src(%dma_wait3A_798 : memref<64x128xf32, #tpu.memory_space<hbm>>) dst(%dma_wait3A_795 : memref<64x128xf32, #tpu.memory_space<vmem>>)
      %slice3A_799 = vector.extract_strided_slice %and3A_231 {offsets = [9], sizes = [1], strides = [1]} : vector<16xi32> to vector<1xi32>
      %squeeze3A_800 = vector.extract %slice3A_799[0] : i32 from vector<1xi32>
      %broadcast_in_dim3A_801 = vector.broadcast %squeeze3A_800 : i32 to vector<16xi32>
      %add3A_802 = arith.constant 9 : i32
      %add3A_803 = arith.addi %mul3A_224, %add3A_802 : i32
      %broadcast_in_dim3A_804 = vector.broadcast %add3A_803 : i32 to vector<16xi32>
      %add3A_805 = arith.constant 64 : i32
      %add3A_806 = vector.broadcast %add3A_805 : i32 to vector<16xi32>
      %add3A_807 = arith.addi %add3A_806, %iota3A : vector<16xi32>
      %gather3A_808 = tpu.vector_load_idx %arg6[%add3A_807, %broadcast_in_dim3A_801] : memref<512x128xf32, #tpu.memory_space<vmem>>[vector<16xi32>, vector<16xi32>], vector<16xf32>,
      %add3A_809 = arith.constant 0 : i32
      %add3A_810 = vector.broadcast %add3A_809 : i32 to vector<16xi32>
      %add3A_811 = arith.addi %add3A_810, %iota3A : vector<16xi32>
      tpu.vector_store_idx %arg7[%add3A_811, %broadcast_in_dim3A_804], %gather3A_808 : memref<64x512xf32, #tpu.memory_space<vmem>>[vector<16xi32>, vector<16xi32>], vector<16xf32>,
      %add3A_812 = arith.constant 80 : i32
      %add3A_813 = vector.broadcast %add3A_812 : i32 to vector<16xi32>
      %add3A_814 = arith.addi %add3A_813, %iota3A : vector<16xi32>
      %gather3A_815 = tpu.vector_load_idx %arg6[%add3A_814, %broadcast_in_dim3A_801] : memref<512x128xf32, #tpu.memory_space<vmem>>[vector<16xi32>, vector<16xi32>], vector<16xf32>,
      %add3A_816 = arith.constant 16 : i32
      %add3A_817 = vector.broadcast %add3A_816 : i32 to vector<16xi32>
      %add3A_818 = arith.addi %add3A_817, %iota3A : vector<16xi32>
      tpu.vector_store_idx %arg7[%add3A_818, %broadcast_in_dim3A_804], %gather3A_815 : memref<64x512xf32, #tpu.memory_space<vmem>>[vector<16xi32>, vector<16xi32>], vector<16xf32>,
      %add3A_819 = arith.constant 96 : i32
      %add3A_820 = vector.broadcast %add3A_819 : i32 to vector<16xi32>
      %add3A_821 = arith.addi %add3A_820, %iota3A : vector<16xi32>
      %gather3A_822 = tpu.vector_load_idx %arg6[%add3A_821, %broadcast_in_dim3A_801] : memref<512x128xf32, #tpu.memory_space<vmem>>[vector<16xi32>, vector<16xi32>], vector<16xf32>,
      %add3A_823 = arith.constant 32 : i32
      %add3A_824 = vector.broadcast %add3A_823 : i32 to vector<16xi32>
      %add3A_825 = arith.addi %add3A_824, %iota3A : vector<16xi32>
      tpu.vector_store_idx %arg7[%add3A_825, %broadcast_in_dim3A_804], %gather3A_822 : memref<64x512xf32, #tpu.memory_space<vmem>>[vector<16xi32>, vector<16xi32>], vector<16xf32>,
      %add3A_826 = arith.constant 112 : i32
      %add3A_827 = vector.broadcast %add3A_826 : i32 to vector<16xi32>
      %add3A_828 = arith.addi %add3A_827, %iota3A : vector<16xi32>
      %gather3A_829 = tpu.vector_load_idx %arg6[%add3A_828, %broadcast_in_dim3A_801] : memref<512x128xf32, #tpu.memory_space<vmem>>[vector<16xi32>, vector<16xi32>], vector<16xf32>,
      %add3A_830 = arith.constant 48 : i32
      %add3A_831 = vector.broadcast %add3A_830 : i32 to vector<16xi32>
      %add3A_832 = arith.addi %add3A_831, %iota3A : vector<16xi32>
      tpu.vector_store_idx %arg7[%add3A_832, %broadcast_in_dim3A_804], %gather3A_829 : memref<64x512xf32, #tpu.memory_space<vmem>>[vector<16xi32>, vector<16xi32>], vector<16xf32>,
      %slice3A_833 = vector.extract_strided_slice %shift_right_logical3A_239 {offsets = [1], sizes = [1], strides = [1]} : vector<16xi32> to vector<1xi32>
      %squeeze3A_834 = vector.extract %slice3A_833[0] : i32 from vector<1xi32>
      %mul3A_835 = arith.constant 128 : i32
      %mul3A_836 = arith.muli %squeeze3A_834, %mul3A_835 : i32
      %multiple_of3A_837 = tpu.assume_multiple %mul3A_836, 128 : i32
      %dma_start3A_838 = arith.constant 64 : i32
      %dma_start3A_839 = arith.constant 0 : i32
      %dma_start3A_840 = tpu.memref_slice %arg6[%dma_start3A_838, %dma_start3A_839] : memref<512x128xf32, #tpu.memory_space<vmem>> -> memref<64x128xf32, #tpu.memory_space<vmem>>
      %dma_start3A_841 = arith.constant 0 : i32
      %dma_start3A_842 = tpu.memref_slice %arg3[%dma_start3A_841, %multiple_of3A_837] : memref<64x1000000xf32, #tpu.memory_space<hbm>> -> memref<64x128xf32, #tpu.memory_space<hbm>>
      %dma_start3A_843 = arith.constant 64 : i32
      %dma_start3A_844 = arith.constant 0 : i32
      %dma_start3A_845 = tpu.memref_slice %arg6[%dma_start3A_843, %dma_start3A_844] : memref<512x128xf32, #tpu.memory_space<vmem>> -> memref<64x128xf32, #tpu.memory_space<vmem>>
      %dma_start3A_846 = arith.constant 0 : i32
      %dma_start3A_847 = tpu.memref_slice %arg3[%dma_start3A_846, %multiple_of3A_837] : memref<64x1000000xf32, #tpu.memory_space<hbm>> -> memref<64x128xf32, #tpu.memory_space<hbm>>
      tpu.enqueue_dma source(%dma_start3A_847 : memref<64x128xf32, #tpu.memory_space<hbm>>) target(%dma_start3A_845 : memref<64x128xf32, #tpu.memory_space<vmem>>) target_semaphore(%arg8 : memref<!tpu.dma_semaphore, #tpu.memory_space<semaphore_mem>>)
      %dma_wait3A_848 = arith.constant 128 : i32
      %dma_wait3A_849 = arith.constant 0 : i32
      %dma_wait3A_850 = tpu.memref_slice %arg6[%dma_wait3A_848, %dma_wait3A_849] : memref<512x128xf32, #tpu.memory_space<vmem>> -> memref<64x128xf32, #tpu.memory_space<vmem>>
      %dma_wait3A_851 = arith.constant 0 : i32
      %dma_wait3A_852 = arith.constant 0 : i32
      %dma_wait3A_853 = tpu.memref_slice %arg3[%dma_wait3A_851, %dma_wait3A_852] : memref<64x1000000xf32, #tpu.memory_space<hbm>> -> memref<64x128xf32, #tpu.memory_space<hbm>>
      %dma_wait3A_854 = arith.constant 128 : i32
      %dma_wait3A_855 = arith.constant 0 : i32
      %dma_wait3A_856 = tpu.memref_slice %arg6[%dma_wait3A_854, %dma_wait3A_855] : memref<512x128xf32, #tpu.memory_space<vmem>> -> memref<64x128xf32, #tpu.memory_space<vmem>>
      %dma_wait3A_857 = arith.constant 0 : i32
      %dma_wait3A_858 = arith.constant 0 : i32
      %dma_wait3A_859 = tpu.memref_slice %arg3[%dma_wait3A_857, %dma_wait3A_858] : memref<64x1000000xf32, #tpu.memory_space<hbm>> -> memref<64x128xf32, #tpu.memory_space<hbm>>
      tpu.wait_dma2 semaphore(%arg8 : memref<!tpu.dma_semaphore, #tpu.memory_space<semaphore_mem>>) src(%dma_wait3A_859 : memref<64x128xf32, #tpu.memory_space<hbm>>) dst(%dma_wait3A_856 : memref<64x128xf32, #tpu.memory_space<vmem>>)
      %slice3A_860 = vector.extract_strided_slice %and3A_231 {offsets = [10], sizes = [1], strides = [1]} : vector<16xi32> to vector<1xi32>
      %squeeze3A_861 = vector.extract %slice3A_860[0] : i32 from vector<1xi32>
      %broadcast_in_dim3A_862 = vector.broadcast %squeeze3A_861 : i32 to vector<16xi32>
      %add3A_863 = arith.constant 10 : i32
      %add3A_864 = arith.addi %mul3A_224, %add3A_863 : i32
      %broadcast_in_dim3A_865 = vector.broadcast %add3A_864 : i32 to vector<16xi32>
      %add3A_866 = arith.constant 128 : i32
      %add3A_867 = vector.broadcast %add3A_866 : i32 to vector<16xi32>
      %add3A_868 = arith.addi %add3A_867, %iota3A : vector<16xi32>
      %gather3A_869 = tpu.vector_load_idx %arg6[%add3A_868, %broadcast_in_dim3A_862] : memref<512x128xf32, #tpu.memory_space<vmem>>[vector<16xi32>, vector<16xi32>], vector<16xf32>,
      %add3A_870 = arith.constant 0 : i32
      %add3A_871 = vector.broadcast %add3A_870 : i32 to vector<16xi32>
      %add3A_872 = arith.addi %add3A_871, %iota3A : vector<16xi32>
      tpu.vector_store_idx %arg7[%add3A_872, %broadcast_in_dim3A_865], %gather3A_869 : memref<64x512xf32, #tpu.memory_space<vmem>>[vector<16xi32>, vector<16xi32>], vector<16xf32>,
      %add3A_873 = arith.constant 144 : i32
      %add3A_874 = vector.broadcast %add3A_873 : i32 to vector<16xi32>
      %add3A_875 = arith.addi %add3A_874, %iota3A : vector<16xi32>
      %gather3A_876 = tpu.vector_load_idx %arg6[%add3A_875, %broadcast_in_dim3A_862] : memref<512x128xf32, #tpu.memory_space<vmem>>[vector<16xi32>, vector<16xi32>], vector<16xf32>,
      %add3A_877 = arith.constant 16 : i32
      %add3A_878 = vector.broadcast %add3A_877 : i32 to vector<16xi32>
      %add3A_879 = arith.addi %add3A_878, %iota3A : vector<16xi32>
      tpu.vector_store_idx %arg7[%add3A_879, %broadcast_in_dim3A_865], %gather3A_876 : memref<64x512xf32, #tpu.memory_space<vmem>>[vector<16xi32>, vector<16xi32>], vector<16xf32>,
      %add3A_880 = arith.constant 160 : i32
      %add3A_881 = vector.broadcast %add3A_880 : i32 to vector<16xi32>
      %add3A_882 = arith.addi %add3A_881, %iota3A : vector<16xi32>
      %gather3A_883 = tpu.vector_load_idx %arg6[%add3A_882, %broadcast_in_dim3A_862] : memref<512x128xf32, #tpu.memory_space<vmem>>[vector<16xi32>, vector<16xi32>], vector<16xf32>,
      %add3A_884 = arith.constant 32 : i32
      %add3A_885 = vector.broadcast %add3A_884 : i32 to vector<16xi32>
      %add3A_886 = arith.addi %add3A_885, %iota3A : vector<16xi32>
      tpu.vector_store_idx %arg7[%add3A_886, %broadcast_in_dim3A_865], %gather3A_883 : memref<64x512xf32, #tpu.memory_space<vmem>>[vector<16xi32>, vector<16xi32>], vector<16xf32>,
      %add3A_887 = arith.constant 176 : i32
      %add3A_888 = vector.broadcast %add3A_887 : i32 to vector<16xi32>
      %add3A_889 = arith.addi %add3A_888, %iota3A : vector<16xi32>
      %gather3A_890 = tpu.vector_load_idx %arg6[%add3A_889, %broadcast_in_dim3A_862] : memref<512x128xf32, #tpu.memory_space<vmem>>[vector<16xi32>, vector<16xi32>], vector<16xf32>,
      %add3A_891 = arith.constant 48 : i32
      %add3A_892 = vector.broadcast %add3A_891 : i32 to vector<16xi32>
      %add3A_893 = arith.addi %add3A_892, %iota3A : vector<16xi32>
      tpu.vector_store_idx %arg7[%add3A_893, %broadcast_in_dim3A_865], %gather3A_890 : memref<64x512xf32, #tpu.memory_space<vmem>>[vector<16xi32>, vector<16xi32>], vector<16xf32>,
      %slice3A_894 = vector.extract_strided_slice %shift_right_logical3A_239 {offsets = [2], sizes = [1], strides = [1]} : vector<16xi32> to vector<1xi32>
      %squeeze3A_895 = vector.extract %slice3A_894[0] : i32 from vector<1xi32>
      %mul3A_896 = arith.constant 128 : i32
      %mul3A_897 = arith.muli %squeeze3A_895, %mul3A_896 : i32
      %multiple_of3A_898 = tpu.assume_multiple %mul3A_897, 128 : i32
      %dma_start3A_899 = arith.constant 128 : i32
      %dma_start3A_900 = arith.constant 0 : i32
      %dma_start3A_901 = tpu.memref_slice %arg6[%dma_start3A_899, %dma_start3A_900] : memref<512x128xf32, #tpu.memory_space<vmem>> -> memref<64x128xf32, #tpu.memory_space<vmem>>
      %dma_start3A_902 = arith.constant 0 : i32
      %dma_start3A_903 = tpu.memref_slice %arg3[%dma_start3A_902, %multiple_of3A_898] : memref<64x1000000xf32, #tpu.memory_space<hbm>> -> memref<64x128xf32, #tpu.memory_space<hbm>>
      %dma_start3A_904 = arith.constant 128 : i32
      %dma_start3A_905 = arith.constant 0 : i32
      %dma_start3A_906 = tpu.memref_slice %arg6[%dma_start3A_904, %dma_start3A_905] : memref<512x128xf32, #tpu.memory_space<vmem>> -> memref<64x128xf32, #tpu.memory_space<vmem>>
      %dma_start3A_907 = arith.constant 0 : i32
      %dma_start3A_908 = tpu.memref_slice %arg3[%dma_start3A_907, %multiple_of3A_898] : memref<64x1000000xf32, #tpu.memory_space<hbm>> -> memref<64x128xf32, #tpu.memory_space<hbm>>
      tpu.enqueue_dma source(%dma_start3A_908 : memref<64x128xf32, #tpu.memory_space<hbm>>) target(%dma_start3A_906 : memref<64x128xf32, #tpu.memory_space<vmem>>) target_semaphore(%arg8 : memref<!tpu.dma_semaphore, #tpu.memory_space<semaphore_mem>>)
      %dma_wait3A_909 = arith.constant 192 : i32
      %dma_wait3A_910 = arith.constant 0 : i32
      %dma_wait3A_911 = tpu.memref_slice %arg6[%dma_wait3A_909, %dma_wait3A_910] : memref<512x128xf32, #tpu.memory_space<vmem>> -> memref<64x128xf32, #tpu.memory_space<vmem>>
      %dma_wait3A_912 = arith.constant 0 : i32
      %dma_wait3A_913 = arith.constant 0 : i32
      %dma_wait3A_914 = tpu.memref_slice %arg3[%dma_wait3A_912, %dma_wait3A_913] : memref<64x1000000xf32, #tpu.memory_space<hbm>> -> memref<64x128xf32, #tpu.memory_space<hbm>>
      %dma_wait3A_915 = arith.constant 192 : i32
      %dma_wait3A_916 = arith.constant 0 : i32
      %dma_wait3A_917 = tpu.memref_slice %arg6[%dma_wait3A_915, %dma_wait3A_916] : memref<512x128xf32, #tpu.memory_space<vmem>> -> memref<64x128xf32, #tpu.memory_space<vmem>>
      %dma_wait3A_918 = arith.constant 0 : i32
      %dma_wait3A_919 = arith.constant 0 : i32
      %dma_wait3A_920 = tpu.memref_slice %arg3[%dma_wait3A_918, %dma_wait3A_919] : memref<64x1000000xf32, #tpu.memory_space<hbm>> -> memref<64x128xf32, #tpu.memory_space<hbm>>
      tpu.wait_dma2 semaphore(%arg8 : memref<!tpu.dma_semaphore, #tpu.memory_space<semaphore_mem>>) src(%dma_wait3A_920 : memref<64x128xf32, #tpu.memory_space<hbm>>) dst(%dma_wait3A_917 : memref<64x128xf32, #tpu.memory_space<vmem>>)
      %slice3A_921 = vector.extract_strided_slice %and3A_231 {offsets = [11], sizes = [1], strides = [1]} : vector<16xi32> to vector<1xi32>
      %squeeze3A_922 = vector.extract %slice3A_921[0] : i32 from vector<1xi32>
      %broadcast_in_dim3A_923 = vector.broadcast %squeeze3A_922 : i32 to vector<16xi32>
      %add3A_924 = arith.constant 11 : i32
      %add3A_925 = arith.addi %mul3A_224, %add3A_924 : i32
      %broadcast_in_dim3A_926 = vector.broadcast %add3A_925 : i32 to vector<16xi32>
      %add3A_927 = arith.constant 192 : i32
      %add3A_928 = vector.broadcast %add3A_927 : i32 to vector<16xi32>
      %add3A_929 = arith.addi %add3A_928, %iota3A : vector<16xi32>
      %gather3A_930 = tpu.vector_load_idx %arg6[%add3A_929, %broadcast_in_dim3A_923] : memref<512x128xf32, #tpu.memory_space<vmem>>[vector<16xi32>, vector<16xi32>], vector<16xf32>,
      %add3A_931 = arith.constant 0 : i32
      %add3A_932 = vector.broadcast %add3A_931 : i32 to vector<16xi32>
      %add3A_933 = arith.addi %add3A_932, %iota3A : vector<16xi32>
      tpu.vector_store_idx %arg7[%add3A_933, %broadcast_in_dim3A_926], %gather3A_930 : memref<64x512xf32, #tpu.memory_space<vmem>>[vector<16xi32>, vector<16xi32>], vector<16xf32>,
      %add3A_934 = arith.constant 208 : i32
      %add3A_935 = vector.broadcast %add3A_934 : i32 to vector<16xi32>
      %add3A_936 = arith.addi %add3A_935, %iota3A : vector<16xi32>
      %gather3A_937 = tpu.vector_load_idx %arg6[%add3A_936, %broadcast_in_dim3A_923] : memref<512x128xf32, #tpu.memory_space<vmem>>[vector<16xi32>, vector<16xi32>], vector<16xf32>,
      %add3A_938 = arith.constant 16 : i32
      %add3A_939 = vector.broadcast %add3A_938 : i32 to vector<16xi32>
      %add3A_940 = arith.addi %add3A_939, %iota3A : vector<16xi32>
      tpu.vector_store_idx %arg7[%add3A_940, %broadcast_in_dim3A_926], %gather3A_937 : memref<64x512xf32, #tpu.memory_space<vmem>>[vector<16xi32>, vector<16xi32>], vector<16xf32>,
      %add3A_941 = arith.constant 224 : i32
      %add3A_942 = vector.broadcast %add3A_941 : i32 to vector<16xi32>
      %add3A_943 = arith.addi %add3A_942, %iota3A : vector<16xi32>
      %gather3A_944 = tpu.vector_load_idx %arg6[%add3A_943, %broadcast_in_dim3A_923] : memref<512x128xf32, #tpu.memory_space<vmem>>[vector<16xi32>, vector<16xi32>], vector<16xf32>,
      %add3A_945 = arith.constant 32 : i32
      %add3A_946 = vector.broadcast %add3A_945 : i32 to vector<16xi32>
      %add3A_947 = arith.addi %add3A_946, %iota3A : vector<16xi32>
      tpu.vector_store_idx %arg7[%add3A_947, %broadcast_in_dim3A_926], %gather3A_944 : memref<64x512xf32, #tpu.memory_space<vmem>>[vector<16xi32>, vector<16xi32>], vector<16xf32>,
      %add3A_948 = arith.constant 240 : i32
      %add3A_949 = vector.broadcast %add3A_948 : i32 to vector<16xi32>
      %add3A_950 = arith.addi %add3A_949, %iota3A : vector<16xi32>
      %gather3A_951 = tpu.vector_load_idx %arg6[%add3A_950, %broadcast_in_dim3A_923] : memref<512x128xf32, #tpu.memory_space<vmem>>[vector<16xi32>, vector<16xi32>], vector<16xf32>,
      %add3A_952 = arith.constant 48 : i32
      %add3A_953 = vector.broadcast %add3A_952 : i32 to vector<16xi32>
      %add3A_954 = arith.addi %add3A_953, %iota3A : vector<16xi32>
      tpu.vector_store_idx %arg7[%add3A_954, %broadcast_in_dim3A_926], %gather3A_951 : memref<64x512xf32, #tpu.memory_space<vmem>>[vector<16xi32>, vector<16xi32>], vector<16xf32>,
      %slice3A_955 = vector.extract_strided_slice %shift_right_logical3A_239 {offsets = [3], sizes = [1], strides = [1]} : vector<16xi32> to vector<1xi32>
      %squeeze3A_956 = vector.extract %slice3A_955[0] : i32 from vector<1xi32>
      %mul3A_957 = arith.constant 128 : i32
      %mul3A_958 = arith.muli %squeeze3A_956, %mul3A_957 : i32
      %multiple_of3A_959 = tpu.assume_multiple %mul3A_958, 128 : i32
      %dma_start3A_960 = arith.constant 192 : i32
      %dma_start3A_961 = arith.constant 0 : i32
      %dma_start3A_962 = tpu.memref_slice %arg6[%dma_start3A_960, %dma_start3A_961] : memref<512x128xf32, #tpu.memory_space<vmem>> -> memref<64x128xf32, #tpu.memory_space<vmem>>
      %dma_start3A_963 = arith.constant 0 : i32
      %dma_start3A_964 = tpu.memref_slice %arg3[%dma_start3A_963, %multiple_of3A_959] : memref<64x1000000xf32, #tpu.memory_space<hbm>> -> memref<64x128xf32, #tpu.memory_space<hbm>>
      %dma_start3A_965 = arith.constant 192 : i32
      %dma_start3A_966 = arith.constant 0 : i32
      %dma_start3A_967 = tpu.memref_slice %arg6[%dma_start3A_965, %dma_start3A_966] : memref<512x128xf32, #tpu.memory_space<vmem>> -> memref<64x128xf32, #tpu.memory_space<vmem>>
      %dma_start3A_968 = arith.constant 0 : i32
      %dma_start3A_969 = tpu.memref_slice %arg3[%dma_start3A_968, %multiple_of3A_959] : memref<64x1000000xf32, #tpu.memory_space<hbm>> -> memref<64x128xf32, #tpu.memory_space<hbm>>
      tpu.enqueue_dma source(%dma_start3A_969 : memref<64x128xf32, #tpu.memory_space<hbm>>) target(%dma_start3A_967 : memref<64x128xf32, #tpu.memory_space<vmem>>) target_semaphore(%arg8 : memref<!tpu.dma_semaphore, #tpu.memory_space<semaphore_mem>>)
      %dma_wait3A_970 = arith.constant 256 : i32
      %dma_wait3A_971 = arith.constant 0 : i32
      %dma_wait3A_972 = tpu.memref_slice %arg6[%dma_wait3A_970, %dma_wait3A_971] : memref<512x128xf32, #tpu.memory_space<vmem>> -> memref<64x128xf32, #tpu.memory_space<vmem>>
      %dma_wait3A_973 = arith.constant 0 : i32
      %dma_wait3A_974 = arith.constant 0 : i32
      %dma_wait3A_975 = tpu.memref_slice %arg3[%dma_wait3A_973, %dma_wait3A_974] : memref<64x1000000xf32, #tpu.memory_space<hbm>> -> memref<64x128xf32, #tpu.memory_space<hbm>>
      %dma_wait3A_976 = arith.constant 256 : i32
      %dma_wait3A_977 = arith.constant 0 : i32
      %dma_wait3A_978 = tpu.memref_slice %arg6[%dma_wait3A_976, %dma_wait3A_977] : memref<512x128xf32, #tpu.memory_space<vmem>> -> memref<64x128xf32, #tpu.memory_space<vmem>>
      %dma_wait3A_979 = arith.constant 0 : i32
      %dma_wait3A_980 = arith.constant 0 : i32
      %dma_wait3A_981 = tpu.memref_slice %arg3[%dma_wait3A_979, %dma_wait3A_980] : memref<64x1000000xf32, #tpu.memory_space<hbm>> -> memref<64x128xf32, #tpu.memory_space<hbm>>
      tpu.wait_dma2 semaphore(%arg8 : memref<!tpu.dma_semaphore, #tpu.memory_space<semaphore_mem>>) src(%dma_wait3A_981 : memref<64x128xf32, #tpu.memory_space<hbm>>) dst(%dma_wait3A_978 : memref<64x128xf32, #tpu.memory_space<vmem>>)
      %slice3A_982 = vector.extract_strided_slice %and3A_231 {offsets = [12], sizes = [1], strides = [1]} : vector<16xi32> to vector<1xi32>
      %squeeze3A_983 = vector.extract %slice3A_982[0] : i32 from vector<1xi32>
      %broadcast_in_dim3A_984 = vector.broadcast %squeeze3A_983 : i32 to vector<16xi32>
      %add3A_985 = arith.constant 12 : i32
      %add3A_986 = arith.addi %mul3A_224, %add3A_985 : i32
      %broadcast_in_dim3A_987 = vector.broadcast %add3A_986 : i32 to vector<16xi32>
      %add3A_988 = arith.constant 256 : i32
      %add3A_989 = vector.broadcast %add3A_988 : i32 to vector<16xi32>
      %add3A_990 = arith.addi %add3A_989, %iota3A : vector<16xi32>
      %gather3A_991 = tpu.vector_load_idx %arg6[%add3A_990, %broadcast_in_dim3A_984] : memref<512x128xf32, #tpu.memory_space<vmem>>[vector<16xi32>, vector<16xi32>], vector<16xf32>,
      %add3A_992 = arith.constant 0 : i32
      %add3A_993 = vector.broadcast %add3A_992 : i32 to vector<16xi32>
      %add3A_994 = arith.addi %add3A_993, %iota3A : vector<16xi32>
      tpu.vector_store_idx %arg7[%add3A_994, %broadcast_in_dim3A_987], %gather3A_991 : memref<64x512xf32, #tpu.memory_space<vmem>>[vector<16xi32>, vector<16xi32>], vector<16xf32>,
      %add3A_995 = arith.constant 272 : i32
      %add3A_996 = vector.broadcast %add3A_995 : i32 to vector<16xi32>
      %add3A_997 = arith.addi %add3A_996, %iota3A : vector<16xi32>
      %gather3A_998 = tpu.vector_load_idx %arg6[%add3A_997, %broadcast_in_dim3A_984] : memref<512x128xf32, #tpu.memory_space<vmem>>[vector<16xi32>, vector<16xi32>], vector<16xf32>,
      %add3A_999 = arith.constant 16 : i32
      %add3A_1000 = vector.broadcast %add3A_999 : i32 to vector<16xi32>
      %add3A_1001 = arith.addi %add3A_1000, %iota3A : vector<16xi32>
      tpu.vector_store_idx %arg7[%add3A_1001, %broadcast_in_dim3A_987], %gather3A_998 : memref<64x512xf32, #tpu.memory_space<vmem>>[vector<16xi32>, vector<16xi32>], vector<16xf32>,
      %add3A_1002 = arith.constant 288 : i32
      %add3A_1003 = vector.broadcast %add3A_1002 : i32 to vector<16xi32>
      %add3A_1004 = arith.addi %add3A_1003, %iota3A : vector<16xi32>
      %gather3A_1005 = tpu.vector_load_idx %arg6[%add3A_1004, %broadcast_in_dim3A_984] : memref<512x128xf32, #tpu.memory_space<vmem>>[vector<16xi32>, vector<16xi32>], vector<16xf32>,
      %add3A_1006 = arith.constant 32 : i32
      %add3A_1007 = vector.broadcast %add3A_1006 : i32 to vector<16xi32>
      %add3A_1008 = arith.addi %add3A_1007, %iota3A : vector<16xi32>
      tpu.vector_store_idx %arg7[%add3A_1008, %broadcast_in_dim3A_987], %gather3A_1005 : memref<64x512xf32, #tpu.memory_space<vmem>>[vector<16xi32>, vector<16xi32>], vector<16xf32>,
      %add3A_1009 = arith.constant 304 : i32
      %add3A_1010 = vector.broadcast %add3A_1009 : i32 to vector<16xi32>
      %add3A_1011 = arith.addi %add3A_1010, %iota3A : vector<16xi32>
      %gather3A_1012 = tpu.vector_load_idx %arg6[%add3A_1011, %broadcast_in_dim3A_984] : memref<512x128xf32, #tpu.memory_space<vmem>>[vector<16xi32>, vector<16xi32>], vector<16xf32>,
      %add3A_1013 = arith.constant 48 : i32
      %add3A_1014 = vector.broadcast %add3A_1013 : i32 to vector<16xi32>
      %add3A_1015 = arith.addi %add3A_1014, %iota3A : vector<16xi32>
      tpu.vector_store_idx %arg7[%add3A_1015, %broadcast_in_dim3A_987], %gather3A_1012 : memref<64x512xf32, #tpu.memory_space<vmem>>[vector<16xi32>, vector<16xi32>], vector<16xf32>,
      %slice3A_1016 = vector.extract_strided_slice %shift_right_logical3A_239 {offsets = [4], sizes = [1], strides = [1]} : vector<16xi32> to vector<1xi32>
      %squeeze3A_1017 = vector.extract %slice3A_1016[0] : i32 from vector<1xi32>
      %mul3A_1018 = arith.constant 128 : i32
      %mul3A_1019 = arith.muli %squeeze3A_1017, %mul3A_1018 : i32
      %multiple_of3A_1020 = tpu.assume_multiple %mul3A_1019, 128 : i32
      %dma_start3A_1021 = arith.constant 256 : i32
      %dma_start3A_1022 = arith.constant 0 : i32
      %dma_start3A_1023 = tpu.memref_slice %arg6[%dma_start3A_1021, %dma_start3A_1022] : memref<512x128xf32, #tpu.memory_space<vmem>> -> memref<64x128xf32, #tpu.memory_space<vmem>>
      %dma_start3A_1024 = arith.constant 0 : i32
      %dma_start3A_1025 = tpu.memref_slice %arg3[%dma_start3A_1024, %multiple_of3A_1020] : memref<64x1000000xf32, #tpu.memory_space<hbm>> -> memref<64x128xf32, #tpu.memory_space<hbm>>
      %dma_start3A_1026 = arith.constant 256 : i32
      %dma_start3A_1027 = arith.constant 0 : i32
      %dma_start3A_1028 = tpu.memref_slice %arg6[%dma_start3A_1026, %dma_start3A_1027] : memref<512x128xf32, #tpu.memory_space<vmem>> -> memref<64x128xf32, #tpu.memory_space<vmem>>
      %dma_start3A_1029 = arith.constant 0 : i32
      %dma_start3A_1030 = tpu.memref_slice %arg3[%dma_start3A_1029, %multiple_of3A_1020] : memref<64x1000000xf32, #tpu.memory_space<hbm>> -> memref<64x128xf32, #tpu.memory_space<hbm>>
      tpu.enqueue_dma source(%dma_start3A_1030 : memref<64x128xf32, #tpu.memory_space<hbm>>) target(%dma_start3A_1028 : memref<64x128xf32, #tpu.memory_space<vmem>>) target_semaphore(%arg8 : memref<!tpu.dma_semaphore, #tpu.memory_space<semaphore_mem>>)
      %dma_wait3A_1031 = arith.constant 320 : i32
      %dma_wait3A_1032 = arith.constant 0 : i32
      %dma_wait3A_1033 = tpu.memref_slice %arg6[%dma_wait3A_1031, %dma_wait3A_1032] : memref<512x128xf32, #tpu.memory_space<vmem>> -> memref<64x128xf32, #tpu.memory_space<vmem>>
      %dma_wait3A_1034 = arith.constant 0 : i32
      %dma_wait3A_1035 = arith.constant 0 : i32
      %dma_wait3A_1036 = tpu.memref_slice %arg3[%dma_wait3A_1034, %dma_wait3A_1035] : memref<64x1000000xf32, #tpu.memory_space<hbm>> -> memref<64x128xf32, #tpu.memory_space<hbm>>
      %dma_wait3A_1037 = arith.constant 320 : i32
      %dma_wait3A_1038 = arith.constant 0 : i32
      %dma_wait3A_1039 = tpu.memref_slice %arg6[%dma_wait3A_1037, %dma_wait3A_1038] : memref<512x128xf32, #tpu.memory_space<vmem>> -> memref<64x128xf32, #tpu.memory_space<vmem>>
      %dma_wait3A_1040 = arith.constant 0 : i32
      %dma_wait3A_1041 = arith.constant 0 : i32
      %dma_wait3A_1042 = tpu.memref_slice %arg3[%dma_wait3A_1040, %dma_wait3A_1041] : memref<64x1000000xf32, #tpu.memory_space<hbm>> -> memref<64x128xf32, #tpu.memory_space<hbm>>
      tpu.wait_dma2 semaphore(%arg8 : memref<!tpu.dma_semaphore, #tpu.memory_space<semaphore_mem>>) src(%dma_wait3A_1042 : memref<64x128xf32, #tpu.memory_space<hbm>>) dst(%dma_wait3A_1039 : memref<64x128xf32, #tpu.memory_space<vmem>>)
      %slice3A_1043 = vector.extract_strided_slice %and3A_231 {offsets = [13], sizes = [1], strides = [1]} : vector<16xi32> to vector<1xi32>
      %squeeze3A_1044 = vector.extract %slice3A_1043[0] : i32 from vector<1xi32>
      %broadcast_in_dim3A_1045 = vector.broadcast %squeeze3A_1044 : i32 to vector<16xi32>
      %add3A_1046 = arith.constant 13 : i32
      %add3A_1047 = arith.addi %mul3A_224, %add3A_1046 : i32
      %broadcast_in_dim3A_1048 = vector.broadcast %add3A_1047 : i32 to vector<16xi32>
      %add3A_1049 = arith.constant 320 : i32
      %add3A_1050 = vector.broadcast %add3A_1049 : i32 to vector<16xi32>
      %add3A_1051 = arith.addi %add3A_1050, %iota3A : vector<16xi32>
      %gather3A_1052 = tpu.vector_load_idx %arg6[%add3A_1051, %broadcast_in_dim3A_1045] : memref<512x128xf32, #tpu.memory_space<vmem>>[vector<16xi32>, vector<16xi32>], vector<16xf32>,
      %add3A_1053 = arith.constant 0 : i32
      %add3A_1054 = vector.broadcast %add3A_1053 : i32 to vector<16xi32>
      %add3A_1055 = arith.addi %add3A_1054, %iota3A : vector<16xi32>
      tpu.vector_store_idx %arg7[%add3A_1055, %broadcast_in_dim3A_1048], %gather3A_1052 : memref<64x512xf32, #tpu.memory_space<vmem>>[vector<16xi32>, vector<16xi32>], vector<16xf32>,
      %add3A_1056 = arith.constant 336 : i32
      %add3A_1057 = vector.broadcast %add3A_1056 : i32 to vector<16xi32>
      %add3A_1058 = arith.addi %add3A_1057, %iota3A : vector<16xi32>
      %gather3A_1059 = tpu.vector_load_idx %arg6[%add3A_1058, %broadcast_in_dim3A_1045] : memref<512x128xf32, #tpu.memory_space<vmem>>[vector<16xi32>, vector<16xi32>], vector<16xf32>,
      %add3A_1060 = arith.constant 16 : i32
      %add3A_1061 = vector.broadcast %add3A_1060 : i32 to vector<16xi32>
      %add3A_1062 = arith.addi %add3A_1061, %iota3A : vector<16xi32>
      tpu.vector_store_idx %arg7[%add3A_1062, %broadcast_in_dim3A_1048], %gather3A_1059 : memref<64x512xf32, #tpu.memory_space<vmem>>[vector<16xi32>, vector<16xi32>], vector<16xf32>,
      %add3A_1063 = arith.constant 352 : i32
      %add3A_1064 = vector.broadcast %add3A_1063 : i32 to vector<16xi32>
      %add3A_1065 = arith.addi %add3A_1064, %iota3A : vector<16xi32>
      %gather3A_1066 = tpu.vector_load_idx %arg6[%add3A_1065, %broadcast_in_dim3A_1045] : memref<512x128xf32, #tpu.memory_space<vmem>>[vector<16xi32>, vector<16xi32>], vector<16xf32>,
      %add3A_1067 = arith.constant 32 : i32
      %add3A_1068 = vector.broadcast %add3A_1067 : i32 to vector<16xi32>
      %add3A_1069 = arith.addi %add3A_1068, %iota3A : vector<16xi32>
      tpu.vector_store_idx %arg7[%add3A_1069, %broadcast_in_dim3A_1048], %gather3A_1066 : memref<64x512xf32, #tpu.memory_space<vmem>>[vector<16xi32>, vector<16xi32>], vector<16xf32>,
      %add3A_1070 = arith.constant 368 : i32
      %add3A_1071 = vector.broadcast %add3A_1070 : i32 to vector<16xi32>
      %add3A_1072 = arith.addi %add3A_1071, %iota3A : vector<16xi32>
      %gather3A_1073 = tpu.vector_load_idx %arg6[%add3A_1072, %broadcast_in_dim3A_1045] : memref<512x128xf32, #tpu.memory_space<vmem>>[vector<16xi32>, vector<16xi32>], vector<16xf32>,
      %add3A_1074 = arith.constant 48 : i32
      %add3A_1075 = vector.broadcast %add3A_1074 : i32 to vector<16xi32>
      %add3A_1076 = arith.addi %add3A_1075, %iota3A : vector<16xi32>
      tpu.vector_store_idx %arg7[%add3A_1076, %broadcast_in_dim3A_1048], %gather3A_1073 : memref<64x512xf32, #tpu.memory_space<vmem>>[vector<16xi32>, vector<16xi32>], vector<16xf32>,
      %slice3A_1077 = vector.extract_strided_slice %shift_right_logical3A_239 {offsets = [5], sizes = [1], strides = [1]} : vector<16xi32> to vector<1xi32>
      %squeeze3A_1078 = vector.extract %slice3A_1077[0] : i32 from vector<1xi32>
      %mul3A_1079 = arith.constant 128 : i32
      %mul3A_1080 = arith.muli %squeeze3A_1078, %mul3A_1079 : i32
      %multiple_of3A_1081 = tpu.assume_multiple %mul3A_1080, 128 : i32
      %dma_start3A_1082 = arith.constant 320 : i32
      %dma_start3A_1083 = arith.constant 0 : i32
      %dma_start3A_1084 = tpu.memref_slice %arg6[%dma_start3A_1082, %dma_start3A_1083] : memref<512x128xf32, #tpu.memory_space<vmem>> -> memref<64x128xf32, #tpu.memory_space<vmem>>
      %dma_start3A_1085 = arith.constant 0 : i32
      %dma_start3A_1086 = tpu.memref_slice %arg3[%dma_start3A_1085, %multiple_of3A_1081] : memref<64x1000000xf32, #tpu.memory_space<hbm>> -> memref<64x128xf32, #tpu.memory_space<hbm>>
      %dma_start3A_1087 = arith.constant 320 : i32
      %dma_start3A_1088 = arith.constant 0 : i32
      %dma_start3A_1089 = tpu.memref_slice %arg6[%dma_start3A_1087, %dma_start3A_1088] : memref<512x128xf32, #tpu.memory_space<vmem>> -> memref<64x128xf32, #tpu.memory_space<vmem>>
      %dma_start3A_1090 = arith.constant 0 : i32
      %dma_start3A_1091 = tpu.memref_slice %arg3[%dma_start3A_1090, %multiple_of3A_1081] : memref<64x1000000xf32, #tpu.memory_space<hbm>> -> memref<64x128xf32, #tpu.memory_space<hbm>>
      tpu.enqueue_dma source(%dma_start3A_1091 : memref<64x128xf32, #tpu.memory_space<hbm>>) target(%dma_start3A_1089 : memref<64x128xf32, #tpu.memory_space<vmem>>) target_semaphore(%arg8 : memref<!tpu.dma_semaphore, #tpu.memory_space<semaphore_mem>>)
      %dma_wait3A_1092 = arith.constant 384 : i32
      %dma_wait3A_1093 = arith.constant 0 : i32
      %dma_wait3A_1094 = tpu.memref_slice %arg6[%dma_wait3A_1092, %dma_wait3A_1093] : memref<512x128xf32, #tpu.memory_space<vmem>> -> memref<64x128xf32, #tpu.memory_space<vmem>>
      %dma_wait3A_1095 = arith.constant 0 : i32
      %dma_wait3A_1096 = arith.constant 0 : i32
      %dma_wait3A_1097 = tpu.memref_slice %arg3[%dma_wait3A_1095, %dma_wait3A_1096] : memref<64x1000000xf32, #tpu.memory_space<hbm>> -> memref<64x128xf32, #tpu.memory_space<hbm>>
      %dma_wait3A_1098 = arith.constant 384 : i32
      %dma_wait3A_1099 = arith.constant 0 : i32
      %dma_wait3A_1100 = tpu.memref_slice %arg6[%dma_wait3A_1098, %dma_wait3A_1099] : memref<512x128xf32, #tpu.memory_space<vmem>> -> memref<64x128xf32, #tpu.memory_space<vmem>>
      %dma_wait3A_1101 = arith.constant 0 : i32
      %dma_wait3A_1102 = arith.constant 0 : i32
      %dma_wait3A_1103 = tpu.memref_slice %arg3[%dma_wait3A_1101, %dma_wait3A_1102] : memref<64x1000000xf32, #tpu.memory_space<hbm>> -> memref<64x128xf32, #tpu.memory_space<hbm>>
      tpu.wait_dma2 semaphore(%arg8 : memref<!tpu.dma_semaphore, #tpu.memory_space<semaphore_mem>>) src(%dma_wait3A_1103 : memref<64x128xf32, #tpu.memory_space<hbm>>) dst(%dma_wait3A_1100 : memref<64x128xf32, #tpu.memory_space<vmem>>)
      %slice3A_1104 = vector.extract_strided_slice %and3A_231 {offsets = [14], sizes = [1], strides = [1]} : vector<16xi32> to vector<1xi32>
      %squeeze3A_1105 = vector.extract %slice3A_1104[0] : i32 from vector<1xi32>
      %broadcast_in_dim3A_1106 = vector.broadcast %squeeze3A_1105 : i32 to vector<16xi32>
      %add3A_1107 = arith.constant 14 : i32
      %add3A_1108 = arith.addi %mul3A_224, %add3A_1107 : i32
      %broadcast_in_dim3A_1109 = vector.broadcast %add3A_1108 : i32 to vector<16xi32>
      %add3A_1110 = arith.constant 384 : i32
      %add3A_1111 = vector.broadcast %add3A_1110 : i32 to vector<16xi32>
      %add3A_1112 = arith.addi %add3A_1111, %iota3A : vector<16xi32>
      %gather3A_1113 = tpu.vector_load_idx %arg6[%add3A_1112, %broadcast_in_dim3A_1106] : memref<512x128xf32, #tpu.memory_space<vmem>>[vector<16xi32>, vector<16xi32>], vector<16xf32>,
      %add3A_1114 = arith.constant 0 : i32
      %add3A_1115 = vector.broadcast %add3A_1114 : i32 to vector<16xi32>
      %add3A_1116 = arith.addi %add3A_1115, %iota3A : vector<16xi32>
      tpu.vector_store_idx %arg7[%add3A_1116, %broadcast_in_dim3A_1109], %gather3A_1113 : memref<64x512xf32, #tpu.memory_space<vmem>>[vector<16xi32>, vector<16xi32>], vector<16xf32>,
      %add3A_1117 = arith.constant 400 : i32
      %add3A_1118 = vector.broadcast %add3A_1117 : i32 to vector<16xi32>
      %add3A_1119 = arith.addi %add3A_1118, %iota3A : vector<16xi32>
      %gather3A_1120 = tpu.vector_load_idx %arg6[%add3A_1119, %broadcast_in_dim3A_1106] : memref<512x128xf32, #tpu.memory_space<vmem>>[vector<16xi32>, vector<16xi32>], vector<16xf32>,
      %add3A_1121 = arith.constant 16 : i32
      %add3A_1122 = vector.broadcast %add3A_1121 : i32 to vector<16xi32>
      %add3A_1123 = arith.addi %add3A_1122, %iota3A : vector<16xi32>
      tpu.vector_store_idx %arg7[%add3A_1123, %broadcast_in_dim3A_1109], %gather3A_1120 : memref<64x512xf32, #tpu.memory_space<vmem>>[vector<16xi32>, vector<16xi32>], vector<16xf32>,
      %add3A_1124 = arith.constant 416 : i32
      %add3A_1125 = vector.broadcast %add3A_1124 : i32 to vector<16xi32>
      %add3A_1126 = arith.addi %add3A_1125, %iota3A : vector<16xi32>
      %gather3A_1127 = tpu.vector_load_idx %arg6[%add3A_1126, %broadcast_in_dim3A_1106] : memref<512x128xf32, #tpu.memory_space<vmem>>[vector<16xi32>, vector<16xi32>], vector<16xf32>,
      %add3A_1128 = arith.constant 32 : i32
      %add3A_1129 = vector.broadcast %add3A_1128 : i32 to vector<16xi32>
      %add3A_1130 = arith.addi %add3A_1129, %iota3A : vector<16xi32>
      tpu.vector_store_idx %arg7[%add3A_1130, %broadcast_in_dim3A_1109], %gather3A_1127 : memref<64x512xf32, #tpu.memory_space<vmem>>[vector<16xi32>, vector<16xi32>], vector<16xf32>,
      %add3A_1131 = arith.constant 432 : i32
      %add3A_1132 = vector.broadcast %add3A_1131 : i32 to vector<16xi32>
      %add3A_1133 = arith.addi %add3A_1132, %iota3A : vector<16xi32>
      %gather3A_1134 = tpu.vector_load_idx %arg6[%add3A_1133, %broadcast_in_dim3A_1106] : memref<512x128xf32, #tpu.memory_space<vmem>>[vector<16xi32>, vector<16xi32>], vector<16xf32>,
      %add3A_1135 = arith.constant 48 : i32
      %add3A_1136 = vector.broadcast %add3A_1135 : i32 to vector<16xi32>
      %add3A_1137 = arith.addi %add3A_1136, %iota3A : vector<16xi32>
      tpu.vector_store_idx %arg7[%add3A_1137, %broadcast_in_dim3A_1109], %gather3A_1134 : memref<64x512xf32, #tpu.memory_space<vmem>>[vector<16xi32>, vector<16xi32>], vector<16xf32>,
      %slice3A_1138 = vector.extract_strided_slice %shift_right_logical3A_239 {offsets = [6], sizes = [1], strides = [1]} : vector<16xi32> to vector<1xi32>
      %squeeze3A_1139 = vector.extract %slice3A_1138[0] : i32 from vector<1xi32>
      %mul3A_1140 = arith.constant 128 : i32
      %mul3A_1141 = arith.muli %squeeze3A_1139, %mul3A_1140 : i32
      %multiple_of3A_1142 = tpu.assume_multiple %mul3A_1141, 128 : i32
      %dma_start3A_1143 = arith.constant 384 : i32
      %dma_start3A_1144 = arith.constant 0 : i32
      %dma_start3A_1145 = tpu.memref_slice %arg6[%dma_start3A_1143, %dma_start3A_1144] : memref<512x128xf32, #tpu.memory_space<vmem>> -> memref<64x128xf32, #tpu.memory_space<vmem>>
      %dma_start3A_1146 = arith.constant 0 : i32
      %dma_start3A_1147 = tpu.memref_slice %arg3[%dma_start3A_1146, %multiple_of3A_1142] : memref<64x1000000xf32, #tpu.memory_space<hbm>> -> memref<64x128xf32, #tpu.memory_space<hbm>>
      %dma_start3A_1148 = arith.constant 384 : i32
      %dma_start3A_1149 = arith.constant 0 : i32
      %dma_start3A_1150 = tpu.memref_slice %arg6[%dma_start3A_1148, %dma_start3A_1149] : memref<512x128xf32, #tpu.memory_space<vmem>> -> memref<64x128xf32, #tpu.memory_space<vmem>>
      %dma_start3A_1151 = arith.constant 0 : i32
      %dma_start3A_1152 = tpu.memref_slice %arg3[%dma_start3A_1151, %multiple_of3A_1142] : memref<64x1000000xf32, #tpu.memory_space<hbm>> -> memref<64x128xf32, #tpu.memory_space<hbm>>
      tpu.enqueue_dma source(%dma_start3A_1152 : memref<64x128xf32, #tpu.memory_space<hbm>>) target(%dma_start3A_1150 : memref<64x128xf32, #tpu.memory_space<vmem>>) target_semaphore(%arg8 : memref<!tpu.dma_semaphore, #tpu.memory_space<semaphore_mem>>)
      %dma_wait3A_1153 = arith.constant 448 : i32
      %dma_wait3A_1154 = arith.constant 0 : i32
      %dma_wait3A_1155 = tpu.memref_slice %arg6[%dma_wait3A_1153, %dma_wait3A_1154] : memref<512x128xf32, #tpu.memory_space<vmem>> -> memref<64x128xf32, #tpu.memory_space<vmem>>
      %dma_wait3A_1156 = arith.constant 0 : i32
      %dma_wait3A_1157 = arith.constant 0 : i32
      %dma_wait3A_1158 = tpu.memref_slice %arg3[%dma_wait3A_1156, %dma_wait3A_1157] : memref<64x1000000xf32, #tpu.memory_space<hbm>> -> memref<64x128xf32, #tpu.memory_space<hbm>>
      %dma_wait3A_1159 = arith.constant 448 : i32
      %dma_wait3A_1160 = arith.constant 0 : i32
      %dma_wait3A_1161 = tpu.memref_slice %arg6[%dma_wait3A_1159, %dma_wait3A_1160] : memref<512x128xf32, #tpu.memory_space<vmem>> -> memref<64x128xf32, #tpu.memory_space<vmem>>
      %dma_wait3A_1162 = arith.constant 0 : i32
      %dma_wait3A_1163 = arith.constant 0 : i32
      %dma_wait3A_1164 = tpu.memref_slice %arg3[%dma_wait3A_1162, %dma_wait3A_1163] : memref<64x1000000xf32, #tpu.memory_space<hbm>> -> memref<64x128xf32, #tpu.memory_space<hbm>>
      tpu.wait_dma2 semaphore(%arg8 : memref<!tpu.dma_semaphore, #tpu.memory_space<semaphore_mem>>) src(%dma_wait3A_1164 : memref<64x128xf32, #tpu.memory_space<hbm>>) dst(%dma_wait3A_1161 : memref<64x128xf32, #tpu.memory_space<vmem>>)
      %slice3A_1165 = vector.extract_strided_slice %and3A_231 {offsets = [15], sizes = [1], strides = [1]} : vector<16xi32> to vector<1xi32>
      %squeeze3A_1166 = vector.extract %slice3A_1165[0] : i32 from vector<1xi32>
      %broadcast_in_dim3A_1167 = vector.broadcast %squeeze3A_1166 : i32 to vector<16xi32>
      %add3A_1168 = arith.constant 15 : i32
      %add3A_1169 = arith.addi %mul3A_224, %add3A_1168 : i32
      %broadcast_in_dim3A_1170 = vector.broadcast %add3A_1169 : i32 to vector<16xi32>
      %add3A_1171 = arith.constant 448 : i32
      %add3A_1172 = vector.broadcast %add3A_1171 : i32 to vector<16xi32>
      %add3A_1173 = arith.addi %add3A_1172, %iota3A : vector<16xi32>
      %gather3A_1174 = tpu.vector_load_idx %arg6[%add3A_1173, %broadcast_in_dim3A_1167] : memref<512x128xf32, #tpu.memory_space<vmem>>[vector<16xi32>, vector<16xi32>], vector<16xf32>,
      %add3A_1175 = arith.constant 0 : i32
      %add3A_1176 = vector.broadcast %add3A_1175 : i32 to vector<16xi32>
      %add3A_1177 = arith.addi %add3A_1176, %iota3A : vector<16xi32>
      tpu.vector_store_idx %arg7[%add3A_1177, %broadcast_in_dim3A_1170], %gather3A_1174 : memref<64x512xf32, #tpu.memory_space<vmem>>[vector<16xi32>, vector<16xi32>], vector<16xf32>,
      %add3A_1178 = arith.constant 464 : i32
      %add3A_1179 = vector.broadcast %add3A_1178 : i32 to vector<16xi32>
      %add3A_1180 = arith.addi %add3A_1179, %iota3A : vector<16xi32>
      %gather3A_1181 = tpu.vector_load_idx %arg6[%add3A_1180, %broadcast_in_dim3A_1167] : memref<512x128xf32, #tpu.memory_space<vmem>>[vector<16xi32>, vector<16xi32>], vector<16xf32>,
      %add3A_1182 = arith.constant 16 : i32
      %add3A_1183 = vector.broadcast %add3A_1182 : i32 to vector<16xi32>
      %add3A_1184 = arith.addi %add3A_1183, %iota3A : vector<16xi32>
      tpu.vector_store_idx %arg7[%add3A_1184, %broadcast_in_dim3A_1170], %gather3A_1181 : memref<64x512xf32, #tpu.memory_space<vmem>>[vector<16xi32>, vector<16xi32>], vector<16xf32>,
      %add3A_1185 = arith.constant 480 : i32
      %add3A_1186 = vector.broadcast %add3A_1185 : i32 to vector<16xi32>
      %add3A_1187 = arith.addi %add3A_1186, %iota3A : vector<16xi32>
      %gather3A_1188 = tpu.vector_load_idx %arg6[%add3A_1187, %broadcast_in_dim3A_1167] : memref<512x128xf32, #tpu.memory_space<vmem>>[vector<16xi32>, vector<16xi32>], vector<16xf32>,
      %add3A_1189 = arith.constant 32 : i32
      %add3A_1190 = vector.broadcast %add3A_1189 : i32 to vector<16xi32>
      %add3A_1191 = arith.addi %add3A_1190, %iota3A : vector<16xi32>
      tpu.vector_store_idx %arg7[%add3A_1191, %broadcast_in_dim3A_1170], %gather3A_1188 : memref<64x512xf32, #tpu.memory_space<vmem>>[vector<16xi32>, vector<16xi32>], vector<16xf32>,
      %add3A_1192 = arith.constant 496 : i32
      %add3A_1193 = vector.broadcast %add3A_1192 : i32 to vector<16xi32>
      %add3A_1194 = arith.addi %add3A_1193, %iota3A : vector<16xi32>
      %gather3A_1195 = tpu.vector_load_idx %arg6[%add3A_1194, %broadcast_in_dim3A_1167] : memref<512x128xf32, #tpu.memory_space<vmem>>[vector<16xi32>, vector<16xi32>], vector<16xf32>,
      %add3A_1196 = arith.constant 48 : i32
      %add3A_1197 = vector.broadcast %add3A_1196 : i32 to vector<16xi32>
      %add3A_1198 = arith.addi %add3A_1197, %iota3A : vector<16xi32>
      tpu.vector_store_idx %arg7[%add3A_1198, %broadcast_in_dim3A_1170], %gather3A_1195 : memref<64x512xf32, #tpu.memory_space<vmem>>[vector<16xi32>, vector<16xi32>], vector<16xf32>,
      %slice3A_1199 = vector.extract_strided_slice %shift_right_logical3A_239 {offsets = [7], sizes = [1], strides = [1]} : vector<16xi32> to vector<1xi32>
      %squeeze3A_1200 = vector.extract %slice3A_1199[0] : i32 from vector<1xi32>
      %mul3A_1201 = arith.constant 128 : i32
      %mul3A_1202 = arith.muli %squeeze3A_1200, %mul3A_1201 : i32
      %multiple_of3A_1203 = tpu.assume_multiple %mul3A_1202, 128 : i32
      %dma_start3A_1204 = arith.constant 448 : i32
      %dma_start3A_1205 = arith.constant 0 : i32
      %dma_start3A_1206 = tpu.memref_slice %arg6[%dma_start3A_1204, %dma_start3A_1205] : memref<512x128xf32, #tpu.memory_space<vmem>> -> memref<64x128xf32, #tpu.memory_space<vmem>>
      %dma_start3A_1207 = arith.constant 0 : i32
      %dma_start3A_1208 = tpu.memref_slice %arg3[%dma_start3A_1207, %multiple_of3A_1203] : memref<64x1000000xf32, #tpu.memory_space<hbm>> -> memref<64x128xf32, #tpu.memory_space<hbm>>
      %dma_start3A_1209 = arith.constant 448 : i32
      %dma_start3A_1210 = arith.constant 0 : i32
      %dma_start3A_1211 = tpu.memref_slice %arg6[%dma_start3A_1209, %dma_start3A_1210] : memref<512x128xf32, #tpu.memory_space<vmem>> -> memref<64x128xf32, #tpu.memory_space<vmem>>
      %dma_start3A_1212 = arith.constant 0 : i32
      %dma_start3A_1213 = tpu.memref_slice %arg3[%dma_start3A_1212, %multiple_of3A_1203] : memref<64x1000000xf32, #tpu.memory_space<hbm>> -> memref<64x128xf32, #tpu.memory_space<hbm>>
      tpu.enqueue_dma source(%dma_start3A_1213 : memref<64x128xf32, #tpu.memory_space<hbm>>) target(%dma_start3A_1211 : memref<64x128xf32, #tpu.memory_space<vmem>>) target_semaphore(%arg8 : memref<!tpu.dma_semaphore, #tpu.memory_space<semaphore_mem>>)
    }
    %scan3A_126 = arith.constant 32 : i32
    %dma_wait3A = arith.constant 0 : i32
    %dma_wait3A_127 = arith.constant 0 : i32
    %dma_wait3A_128 = tpu.memref_slice %arg6[%dma_wait3A, %dma_wait3A_127] : memref<512x128xf32, #tpu.memory_space<vmem>> -> memref<64x128xf32, #tpu.memory_space<vmem>>
    %dma_wait3A_129 = arith.constant 0 : i32
    %dma_wait3A_130 = arith.constant 0 : i32
    %dma_wait3A_131 = tpu.memref_slice %arg3[%dma_wait3A_129, %dma_wait3A_130] : memref<64x1000000xf32, #tpu.memory_space<hbm>> -> memref<64x128xf32, #tpu.memory_space<hbm>>
    %dma_wait3A_132 = arith.constant 0 : i32
    %dma_wait3A_133 = arith.constant 0 : i32
    %dma_wait3A_134 = tpu.memref_slice %arg6[%dma_wait3A_132, %dma_wait3A_133] : memref<512x128xf32, #tpu.memory_space<vmem>> -> memref<64x128xf32, #tpu.memory_space<vmem>>
    %dma_wait3A_135 = arith.constant 0 : i32
    %dma_wait3A_136 = arith.constant 0 : i32
    %dma_wait3A_137 = tpu.memref_slice %arg3[%dma_wait3A_135, %dma_wait3A_136] : memref<64x1000000xf32, #tpu.memory_space<hbm>> -> memref<64x128xf32, #tpu.memory_space<hbm>>
    tpu.wait_dma2 semaphore(%arg8 : memref<!tpu.dma_semaphore, #tpu.memory_space<semaphore_mem>>) src(%dma_wait3A_137 : memref<64x128xf32, #tpu.memory_space<hbm>>) dst(%dma_wait3A_134 : memref<64x128xf32, #tpu.memory_space<vmem>>)
    %dma_wait3A_138 = arith.constant 64 : i32
    %dma_wait3A_139 = arith.constant 0 : i32
    %dma_wait3A_140 = tpu.memref_slice %arg6[%dma_wait3A_138, %dma_wait3A_139] : memref<512x128xf32, #tpu.memory_space<vmem>> -> memref<64x128xf32, #tpu.memory_space<vmem>>
    %dma_wait3A_141 = arith.constant 0 : i32
    %dma_wait3A_142 = arith.constant 0 : i32
    %dma_wait3A_143 = tpu.memref_slice %arg3[%dma_wait3A_141, %dma_wait3A_142] : memref<64x1000000xf32, #tpu.memory_space<hbm>> -> memref<64x128xf32, #tpu.memory_space<hbm>>
    %dma_wait3A_144 = arith.constant 64 : i32
    %dma_wait3A_145 = arith.constant 0 : i32
    %dma_wait3A_146 = tpu.memref_slice %arg6[%dma_wait3A_144, %dma_wait3A_145] : memref<512x128xf32, #tpu.memory_space<vmem>> -> memref<64x128xf32, #tpu.memory_space<vmem>>
    %dma_wait3A_147 = arith.constant 0 : i32
    %dma_wait3A_148 = arith.constant 0 : i32
    %dma_wait3A_149 = tpu.memref_slice %arg3[%dma_wait3A_147, %dma_wait3A_148] : memref<64x1000000xf32, #tpu.memory_space<hbm>> -> memref<64x128xf32, #tpu.memory_space<hbm>>
    tpu.wait_dma2 semaphore(%arg8 : memref<!tpu.dma_semaphore, #tpu.memory_space<semaphore_mem>>) src(%dma_wait3A_149 : memref<64x128xf32, #tpu.memory_space<hbm>>) dst(%dma_wait3A_146 : memref<64x128xf32, #tpu.memory_space<vmem>>)
    %dma_wait3A_150 = arith.constant 128 : i32
    %dma_wait3A_151 = arith.constant 0 : i32
    %dma_wait3A_152 = tpu.memref_slice %arg6[%dma_wait3A_150, %dma_wait3A_151] : memref<512x128xf32, #tpu.memory_space<vmem>> -> memref<64x128xf32, #tpu.memory_space<vmem>>
    %dma_wait3A_153 = arith.constant 0 : i32
    %dma_wait3A_154 = arith.constant 0 : i32
    %dma_wait3A_155 = tpu.memref_slice %arg3[%dma_wait3A_153, %dma_wait3A_154] : memref<64x1000000xf32, #tpu.memory_space<hbm>> -> memref<64x128xf32, #tpu.memory_space<hbm>>
    %dma_wait3A_156 = arith.constant 128 : i32
    %dma_wait3A_157 = arith.constant 0 : i32
    %dma_wait3A_158 = tpu.memref_slice %arg6[%dma_wait3A_156, %dma_wait3A_157] : memref<512x128xf32, #tpu.memory_space<vmem>> -> memref<64x128xf32, #tpu.memory_space<vmem>>
    %dma_wait3A_159 = arith.constant 0 : i32
    %dma_wait3A_160 = arith.constant 0 : i32
    %dma_wait3A_161 = tpu.memref_slice %arg3[%dma_wait3A_159, %dma_wait3A_160] : memref<64x1000000xf32, #tpu.memory_space<hbm>> -> memref<64x128xf32, #tpu.memory_space<hbm>>
    tpu.wait_dma2 semaphore(%arg8 : memref<!tpu.dma_semaphore, #tpu.memory_space<semaphore_mem>>) src(%dma_wait3A_161 : memref<64x128xf32, #tpu.memory_space<hbm>>) dst(%dma_wait3A_158 : memref<64x128xf32, #tpu.memory_space<vmem>>)
    %dma_wait3A_162 = arith.constant 192 : i32
    %dma_wait3A_163 = arith.constant 0 : i32
    %dma_wait3A_164 = tpu.memref_slice %arg6[%dma_wait3A_162, %dma_wait3A_163] : memref<512x128xf32, #tpu.memory_space<vmem>> -> memref<64x128xf32, #tpu.memory_space<vmem>>
    %dma_wait3A_165 = arith.constant 0 : i32
    %dma_wait3A_166 = arith.constant 0 : i32
    %dma_wait3A_167 = tpu.memref_slice %arg3[%dma_wait3A_165, %dma_wait3A_166] : memref<64x1000000xf32, #tpu.memory_space<hbm>> -> memref<64x128xf32, #tpu.memory_space<hbm>>
    %dma_wait3A_168 = arith.constant 192 : i32
    %dma_wait3A_169 = arith.constant 0 : i32
    %dma_wait3A_170 = tpu.memref_slice %arg6[%dma_wait3A_168, %dma_wait3A_169] : memref<512x128xf32, #tpu.memory_space<vmem>> -> memref<64x128xf32, #tpu.memory_space<vmem>>
    %dma_wait3A_171 = arith.constant 0 : i32
    %dma_wait3A_172 = arith.constant 0 : i32
    %dma_wait3A_173 = tpu.memref_slice %arg3[%dma_wait3A_171, %dma_wait3A_172] : memref<64x1000000xf32, #tpu.memory_space<hbm>> -> memref<64x128xf32, #tpu.memory_space<hbm>>
    tpu.wait_dma2 semaphore(%arg8 : memref<!tpu.dma_semaphore, #tpu.memory_space<semaphore_mem>>) src(%dma_wait3A_173 : memref<64x128xf32, #tpu.memory_space<hbm>>) dst(%dma_wait3A_170 : memref<64x128xf32, #tpu.memory_space<vmem>>)
    %dma_wait3A_174 = arith.constant 256 : i32
    %dma_wait3A_175 = arith.constant 0 : i32
    %dma_wait3A_176 = tpu.memref_slice %arg6[%dma_wait3A_174, %dma_wait3A_175] : memref<512x128xf32, #tpu.memory_space<vmem>> -> memref<64x128xf32, #tpu.memory_space<vmem>>
    %dma_wait3A_177 = arith.constant 0 : i32
    %dma_wait3A_178 = arith.constant 0 : i32
    %dma_wait3A_179 = tpu.memref_slice %arg3[%dma_wait3A_177, %dma_wait3A_178] : memref<64x1000000xf32, #tpu.memory_space<hbm>> -> memref<64x128xf32, #tpu.memory_space<hbm>>
    %dma_wait3A_180 = arith.constant 256 : i32
    %dma_wait3A_181 = arith.constant 0 : i32
    %dma_wait3A_182 = tpu.memref_slice %arg6[%dma_wait3A_180, %dma_wait3A_181] : memref<512x128xf32, #tpu.memory_space<vmem>> -> memref<64x128xf32, #tpu.memory_space<vmem>>
    %dma_wait3A_183 = arith.constant 0 : i32
    %dma_wait3A_184 = arith.constant 0 : i32
    %dma_wait3A_185 = tpu.memref_slice %arg3[%dma_wait3A_183, %dma_wait3A_184] : memref<64x1000000xf32, #tpu.memory_space<hbm>> -> memref<64x128xf32, #tpu.memory_space<hbm>>
    tpu.wait_dma2 semaphore(%arg8 : memref<!tpu.dma_semaphore, #tpu.memory_space<semaphore_mem>>) src(%dma_wait3A_185 : memref<64x128xf32, #tpu.memory_space<hbm>>) dst(%dma_wait3A_182 : memref<64x128xf32, #tpu.memory_space<vmem>>)
    %dma_wait3A_186 = arith.constant 320 : i32
    %dma_wait3A_187 = arith.constant 0 : i32
    %dma_wait3A_188 = tpu.memref_slice %arg6[%dma_wait3A_186, %dma_wait3A_187] : memref<512x128xf32, #tpu.memory_space<vmem>> -> memref<64x128xf32, #tpu.memory_space<vmem>>
    %dma_wait3A_189 = arith.constant 0 : i32
    %dma_wait3A_190 = arith.constant 0 : i32
    %dma_wait3A_191 = tpu.memref_slice %arg3[%dma_wait3A_189, %dma_wait3A_190] : memref<64x1000000xf32, #tpu.memory_space<hbm>> -> memref<64x128xf32, #tpu.memory_space<hbm>>
    %dma_wait3A_192 = arith.constant 320 : i32
    %dma_wait3A_193 = arith.constant 0 : i32
    %dma_wait3A_194 = tpu.memref_slice %arg6[%dma_wait3A_192, %dma_wait3A_193] : memref<512x128xf32, #tpu.memory_space<vmem>> -> memref<64x128xf32, #tpu.memory_space<vmem>>
    %dma_wait3A_195 = arith.constant 0 : i32
    %dma_wait3A_196 = arith.constant 0 : i32
    %dma_wait3A_197 = tpu.memref_slice %arg3[%dma_wait3A_195, %dma_wait3A_196] : memref<64x1000000xf32, #tpu.memory_space<hbm>> -> memref<64x128xf32, #tpu.memory_space<hbm>>
    tpu.wait_dma2 semaphore(%arg8 : memref<!tpu.dma_semaphore, #tpu.memory_space<semaphore_mem>>) src(%dma_wait3A_197 : memref<64x128xf32, #tpu.memory_space<hbm>>) dst(%dma_wait3A_194 : memref<64x128xf32, #tpu.memory_space<vmem>>)
    %dma_wait3A_198 = arith.constant 384 : i32
    %dma_wait3A_199 = arith.constant 0 : i32
    %dma_wait3A_200 = tpu.memref_slice %arg6[%dma_wait3A_198, %dma_wait3A_199] : memref<512x128xf32, #tpu.memory_space<vmem>> -> memref<64x128xf32, #tpu.memory_space<vmem>>
    %dma_wait3A_201 = arith.constant 0 : i32
    %dma_wait3A_202 = arith.constant 0 : i32
    %dma_wait3A_203 = tpu.memref_slice %arg3[%dma_wait3A_201, %dma_wait3A_202] : memref<64x1000000xf32, #tpu.memory_space<hbm>> -> memref<64x128xf32, #tpu.memory_space<hbm>>
    %dma_wait3A_204 = arith.constant 384 : i32
    %dma_wait3A_205 = arith.constant 0 : i32
    %dma_wait3A_206 = tpu.memref_slice %arg6[%dma_wait3A_204, %dma_wait3A_205] : memref<512x128xf32, #tpu.memory_space<vmem>> -> memref<64x128xf32, #tpu.memory_space<vmem>>
    %dma_wait3A_207 = arith.constant 0 : i32
    %dma_wait3A_208 = arith.constant 0 : i32
    %dma_wait3A_209 = tpu.memref_slice %arg3[%dma_wait3A_207, %dma_wait3A_208] : memref<64x1000000xf32, #tpu.memory_space<hbm>> -> memref<64x128xf32, #tpu.memory_space<hbm>>
    tpu.wait_dma2 semaphore(%arg8 : memref<!tpu.dma_semaphore, #tpu.memory_space<semaphore_mem>>) src(%dma_wait3A_209 : memref<64x128xf32, #tpu.memory_space<hbm>>) dst(%dma_wait3A_206 : memref<64x128xf32, #tpu.memory_space<vmem>>)
    %dma_wait3A_210 = arith.constant 448 : i32
    %dma_wait3A_211 = arith.constant 0 : i32
    %dma_wait3A_212 = tpu.memref_slice %arg6[%dma_wait3A_210, %dma_wait3A_211] : memref<512x128xf32, #tpu.memory_space<vmem>> -> memref<64x128xf32, #tpu.memory_space<vmem>>
    %dma_wait3A_213 = arith.constant 0 : i32
    %dma_wait3A_214 = arith.constant 0 : i32
    %dma_wait3A_215 = tpu.memref_slice %arg3[%dma_wait3A_213, %dma_wait3A_214] : memref<64x1000000xf32, #tpu.memory_space<hbm>> -> memref<64x128xf32, #tpu.memory_space<hbm>>
    %dma_wait3A_216 = arith.constant 448 : i32
    %dma_wait3A_217 = arith.constant 0 : i32
    %dma_wait3A_218 = tpu.memref_slice %arg6[%dma_wait3A_216, %dma_wait3A_217] : memref<512x128xf32, #tpu.memory_space<vmem>> -> memref<64x128xf32, #tpu.memory_space<vmem>>
    %dma_wait3A_219 = arith.constant 0 : i32
    %dma_wait3A_220 = arith.constant 0 : i32
    %dma_wait3A_221 = tpu.memref_slice %arg3[%dma_wait3A_219, %dma_wait3A_220] : memref<64x1000000xf32, #tpu.memory_space<hbm>> -> memref<64x128xf32, #tpu.memory_space<hbm>>
    tpu.wait_dma2 semaphore(%arg8 : memref<!tpu.dma_semaphore, #tpu.memory_space<semaphore_mem>>) src(%dma_wait3A_221 : memref<64x128xf32, #tpu.memory_space<hbm>>) dst(%dma_wait3A_218 : memref<64x128xf32, #tpu.memory_space<vmem>>)
    "tpu.region"() ({
      %run_scoped3A = tpu.sem_alloc : memref<!tpu.dma_semaphore, #tpu.memory_space<semaphore_mem>>
      %dma_start3A_222 = arith.constant 0 : i32
      %dma_start3A_223 = tpu.memref_slice %arg4[%dma_start3A_222, %multiple_of3A] : memref<64x16384xf32, #tpu.memory_space<hbm>> -> memref<64x512xf32, #tpu.memory_space<hbm>>
      %dma_start3A_224 = arith.constant 0 : i32
      %dma_start3A_225 = tpu.memref_slice %arg4[%dma_start3A_224, %multiple_of3A] : memref<64x16384xf32, #tpu.memory_space<hbm>> -> memref<64x512xf32, #tpu.memory_space<hbm>>
      tpu.enqueue_dma source(%arg7 : memref<64x512xf32, #tpu.memory_space<vmem>>) target(%dma_start3A_225 : memref<64x512xf32, #tpu.memory_space<hbm>>) target_semaphore(%run_scoped3A : memref<!tpu.dma_semaphore, #tpu.memory_space<semaphore_mem>>)
      %dma_wait3A_226 = arith.constant 0 : i32
      %dma_wait3A_227 = tpu.memref_slice %arg4[%dma_wait3A_226, %multiple_of3A] : memref<64x16384xf32, #tpu.memory_space<hbm>> -> memref<64x512xf32, #tpu.memory_space<hbm>>
      %dma_wait3A_228 = arith.constant 0 : i32
      %dma_wait3A_229 = tpu.memref_slice %arg4[%dma_wait3A_228, %multiple_of3A] : memref<64x16384xf32, #tpu.memory_space<hbm>> -> memref<64x512xf32, #tpu.memory_space<hbm>>
      tpu.wait_dma2 semaphore(%run_scoped3A : memref<!tpu.dma_semaphore, #tpu.memory_space<semaphore_mem>>) src(%arg7 : memref<64x512xf32, #tpu.memory_space<vmem>>) dst(%dma_wait3A_229 : memref<64x512xf32, #tpu.memory_space<hbm>>)
      tpu.yield
    }) : () -> ()
    return
  }
}

</mosaic_0001>

<sc_bundles>
// kernel: kernel.3.cloned.1.call-start
scs
__scs_entry_jumppad:
0x0: {  	(pc) =	sbr.rel $0x88, $3  }
0x1: {  	(tag) =	ssettag $0x0;
	lr =	simm.s32 $0x1  }
0x2: {  	[smem:$0x3F9F] =	sst lr;
	_ =	strace $0xD0000000  }
0x3: {  	_ = 	snop  }
0x4: {  	_ = 	snop  }
0x5: {  	_ = 	snop  }
0x6: {  	_ = 	snop  }
0x7: {  	_ = 	snop  }
__scs_overlays_trampoline_lowered:
0x8: {  	[smem:$0x3FAE] =	sst s0  }
0x9: {  	[smem:$0x3FAF] =	sst s1  }
0xa: {  	[smem:$0x3FB0] =	sst s2  }
0xb: {  	[smem:$0x3FB1] =	sst s3  }
0xc: {  	[smem:$0x3FB2] =	sst s4  }
0xd: {  	[smem:$0x3FB3] =	sst s5  }
0xe: {  	[smem:$0x3FB4] =	sst s6  }
0xf: {  	[smem:$0x3FB5] =	sst s7  }
0x10: {  	[smem:$0x3FB6] =	sst s8  }
0x11: {  	[smem:$0x3FB7] =	sst s9;
	s0 =	simm.s32 @!p0 $0x0  }
0x12: {  	s1 =	sld [smem:$0x3F9D];
	s0 =	simm.s32 @p0 $0x1  }
0x13: {  	[smem:$0x3FB8] =	sst s0;
	s0 =	simm.s32 @!p1 $0x0  }
0x14: {  	s2 =	sld [smem:$0x3F9C];
	s0 =	simm.s32 @p1 $0x1  }
0x15: {  	[smem:$0x3FB9] =	sst s0;
	s0 =	simm.s32 @!p2 $0x0  }
0x16: {  	s3 =	sld [smem:$0x3FDB];
	s0 =	simm.s32 @p2 $0x1  }
0x17: {  	s4 =	simm.s32 $0x1BF5;
	[smem:$0x3FBB] =	sst s0  }
0x18: {  	s0 =	sld [smem:$0x3F9E];
	_ =	swait.ge [sflag:s4], $0x0  }
0x19: {  	s7 =	sld [smem:$0x3F9F]  }
0x1a: {  	s8 =	sadd.s32 $0xFFFFE003, lr  }
0x1b: {  	s9 =	sadd.s32 $0xFFFFFEF7, lr;
	s5 =	simm.s32 $0xFFFFFFFF;
	p2 =	slt.u32 s8, $0xFFFFF086  }
0x1c: {  	p1 =	slt.u32 s9, $0xF7A;
	s5 =	simm.s32 @!p2 $0x0  }
0x1d: {  	s5 =	simm.s32 @p1 $0x1;
	p0 =	seq.s32 s7, s2  }
0x1e: {  	s7 =	smul.u32 @!p0 $0xF7A, s2;
	p2 =	seq.s32 @!p0 s5, $0x0  }
0x1f: {  	s9 =	smul.u32 $0xF7A, s1;
	s8 =	simm.s32 @!p0 $0x1BF5;
	p2 =	por !p2, p0  }
0x20: {  	[sflag:s8] =	ssyncset.s32 @!p0 $0xFFFFF086;
	s6 =	sadd.s32 @!p0 s3, s7;
	s7 =	simm.s32 @!p0 $0x108  }
0x21: {  	s3 =	sadd.s32 s3, s9;
	s6 =	sadd.s32 @!p0 $0x88, s6;
	s7 =	simm.s32 @p2 $0x1082  }
0x22: {  	[simem:s7], [sflag:s8] =	dma.local @!p0 [hbm:s6], $0xF7A  }
0x23: {  	s9 =	sor.u32 $0xD0000000, s2;
	s6 =	simm.s32 $0x108;
	_ =	swait.ge @!p0 [sflag:s8], $0x0  }
0x24: {  	s3 =	sadd.s32 $0x88, s3;
	s6 =	simm.s32 @!p1 $0x1082;
	[sflag:s4] =	ssyncset.s32 $0xFFFFF086  }
0x25: {  	[simem:s6], [sflag:s4] =	dma.local [hbm:s3], $0xF7A  }
0x26: {  	[smem:$0x3F9F] =	sst s1;
	(tag) =	ssettag s2;
	_ =	strace s9  }
0x27: {  	s1 =	sld [smem:$0x3FAF]  }
0x28: {  	s2 =	sld [smem:$0x3FB0]  }
0x29: {  	s4 =	sld [smem:$0x3FB2]  }
0x2a: {  	p0 =	seq.s32 s5, $0x0;
	s5 =	sld [smem:$0x3FB3]  }
0x2b: {  	s6 =	sld [smem:$0x3FB4]  }
0x2c: {  	s7 =	sld [smem:$0x3FB5]  }
0x2d: {  	s3 =	simm.s32 $0x108;
	s8 =	sld [smem:$0x3FB6]  }
0x2e: {  	s3 =	simm.s32 @!p0 $0x1082;
	s9 =	sld [smem:$0x3FB7]  }
0x2f: {  	lr =	sadd.s32 s0, s3;
	s0 =	sld [smem:$0x3FAE]  }
0x30: {  	s3 =	sld [smem:$0x3FB1]  }
0x31: {  	[smem:$0x3FBA] =	sst s10  }
0x32: {  	s10 =	sld [smem:$0x3FB8];
	_ =	sdelay $0x3  }
0x33: {  	p0 =	seq.s32 s10, $0x1;
	s10 =	sld [smem:$0x3FBA];
	_ =	sdelay $0x3  }
0x34: {  	[smem:$0x3FBA] =	sst s10  }
0x35: {  	s10 =	sld [smem:$0x3FB9];
	_ =	sdelay $0x3  }
0x36: {  	p1 =	seq.s32 s10, $0x1;
	s10 =	sld [smem:$0x3FBA];
	_ =	sdelay $0x3  }
0x37: {  	[smem:$0x3FBA] =	sst s10  }
0x38: {  	s10 =	sld [smem:$0x3FBB]  }
0x39: {  	_ = 	snop;
	(pc) =	sbr.ind lr, $3  }
0x3a: {  	_ = 	snop  }
0x3b: {  	_ = 	snop  }
0x3c: {  	p2 =	seq.s32 s10, $0x1;
	s10 =	sld [smem:$0x3FBA]  }
0x3d: {  	_ =	shalt  }
0x3e: {  	_ =	shalt  }
0x3f: {  	_ =	shalt  }
0x40: {  	_ =	shalt  }
0x41: {  	_ =	shalt  }
0x42: {  	_ =	shalt  }
0x43: {  	_ =	shalt  }
0x44: {  	_ =	shalt  }
0x45: {  	_ =	shalt  }
0x46: {  	_ =	shalt  }
0x47: {  	_ =	shalt  }
0x48: {  	_ =	shalt  }
0x49: {  	_ =	shalt  }
0x4a: {  	_ =	shalt  }
0x4b: {  	_ =	shalt  }
0x4c: {  	_ =	shalt  }
0x4d: {  	_ =	shalt  }
0x4e: {  	_ =	shalt  }
0x4f: {  	_ =	shalt  }
0x50: {  	_ =	shalt  }
0x51: {  	_ =	shalt  }
0x52: {  	_ =	shalt  }
0x53: {  	_ =	shalt  }
0x54: {  	_ =	shalt  }
0x55: {  	_ =	shalt  }
0x56: {  	_ =	shalt  }
0x57: {  	_ =	shalt  }
0x58: {  	_ =	shalt  }
0x59: {  	_ =	shalt  }
0x5a: {  	_ =	shalt  }
0x5b: {  	_ =	shalt  }
0x5c: {  	_ =	shalt  }
0x5d: {  	_ =	shalt  }
0x5e: {  	_ =	shalt  }
0x5f: {  	_ =	shalt  }
0x60: {  	_ =	shalt  }
0x61: {  	_ =	shalt  }
0x62: {  	_ =	shalt  }
0x63: {  	_ =	shalt  }
0x64: {  	_ =	shalt  }
0x65: {  	_ =	shalt  }
0x66: {  	_ =	shalt  }
0x67: {  	_ =	shalt  }
0x68: {  	_ =	shalt  }
0x69: {  	_ =	shalt  }
0x6a: {  	_ =	shalt  }
0x6b: {  	_ =	shalt  }
0x6c: {  	_ =	shalt  }
0x6d: {  	_ =	shalt  }
0x6e: {  	_ =	shalt  }
0x6f: {  	_ =	shalt  }
0x70: {  	_ =	shalt  }
0x71: {  	_ =	shalt  }
0x72: {  	_ =	shalt  }
0x73: {  	_ =	shalt  }
0x74: {  	_ =	shalt  }
0x75: {  	_ =	shalt  }
0x76: {  	_ =	shalt  }
0x77: {  	_ =	shalt  }
0x78: {  	_ =	shalt  }
0x79: {  	_ =	shalt  }
0x7a: {  	_ =	shalt  }
0x7b: {  	_ =	shalt  }
0x7c: {  	_ =	shalt  }
0x7d: {  	_ =	shalt  }
0x7e: {  	_ =	shalt  }
0x7f: {  	_ =	shalt  }
0x80: {  	_ =	shalt  }
0x81: {  	_ =	shalt  }
0x82: {  	_ =	shalt  }
0x83: {  	_ =	shalt  }
0x84: {  	_ =	shalt  }
0x85: {  	_ =	shalt  }
0x86: {  	_ =	shalt  }
0x87: {  	_ =	shalt  }
.Lfunc_end0:
.L_simem_size_0:
called_computation_lowered:
.L_overlay_start_0:
0x88: {  	s2 =	sld [smem:$0x3FD9]  }
0x89: {  	s3 =	sld [smem:$0x3FFE];
	_ =	sdelay $0x1  }
0x8a: {  	s1 =	srdreg.scid  }
0x8b: {  	s0 =	sand.u32 $0x1, s1  }
0x8c: {  	s17 =	sshll.u32 s0, $0xA;
	s2 =	sadd.s32 s3, s2  }
0x8d: {  	s2 =	sadd.s32 s2, s17  }
0x8e: {  	[smem:$0x3FC6] =	sst s2  }
0x8f: {  	_ = 	snop  }
0x90: {  	s2 =	sld [smem:$0x3FC9]  }
0x91: {  	s18 =	sld [smem:$0x3FC8];
	(tm) =	ssettm $0x1  }
0x92: {  	s4 =	sld [smem:$0x3FFB];
	_ =	sdelay $0x3  }
0x93: {  	_ =	strace s4  }
0x94: {  	s4 =	sld [smem:$0x3FFC];
	_ =	sdelay $0x3  }
0x95: {  	_ =	strace s4  }
0x96: {  	s4 =	sld [smem:$0x3FFD];
	_ =	sdelay $0x3  }
0x97: {  	_ =	strace s4  }
0x98: {  	_ =	strace $0x8FFFFFFF  }
0x99: {  	s19 =	sld [smem:$0x3FDB];
	_ =	sdelay $0x1  }
0x9a: {  	s5 =	simm.s32 $_scs_section_size  }
0x9b: {  	s6 =	simm.s32 $_size__tile_overlayer_lowered;
	s7 =	simm.s32 $_tile_overlayer_lowered  }
0x9c: {  	s22 =	simm.s32 $0x1BFF;
	s21 =	sshll.u32 s7, $0x1;
	s4 =	sadd.s32 s5, s19  }
0x9d: {  	s8 =	simm.s32 $0x0;
	s20 =	sshll.u32 s6, $0x1;
	s6 =	sadd.s32 s21, s4  }
0x9e: {  	[timem:s8], [sflag:s22] =	dma.local [hbm:s6], s20  }
0x9f: {  	_ =	swait.ge [sflag:s22], s20  }
0xa0: {  	s5 =	ssub.s32 $0x0, s20;
	[sflag:s22] =	ssyncset.done $0x0  }
0xa1: {  	[sflag:s22] =	ssyncadd.s32 s5;
	_ =	sdelay $0x1  }
0xa2: {  	s23 =	simm.s32 $0x1B8B  }
0xa3: {  	_ =	swait.ge [sflag:s23], $0x1  }
0xa4: {  	[sflag:s23] =	ssyncset.done $0x0  }
0xa5: {  	s25 =	simm.s32 $0x1B8E;
	s24 =	sld [smem:$0x3FFE];
	[sflag:s23] =	ssyncadd.s32 $0xFFFFFFFF  }
0xa6: {  	s26 =	simm.s32 $execute0_lowered;
	[smem:$0x3FD2] =	sst s25  }
0xa7: {  	s6 =	sshll.u32 s26, $0x1;
	_ =	strace $0x80000046;
	[dreg:$0x1] =	wrdreg $0xFFFFFFFF  }
0xa8: {  	s28 =	simm.s32 $_size_execute0_lowered;
	s4 =	sadd.s32 s4, s6;
	[dreg:$0x0] =	wrdreg $0x0  }
0xa9: {  	s6 =	sshll.u32 s28, $0x1;
	[dreg:$0x2] =	wrdreg s4  }
0xaa: {  	[dreg:$0x3] =	wrdreg s6  }
0xab: {  	[dreg:$0x4] =	wrdreg $0xC0  }
0xac: {  	_ =	task [dreg:s8], $0x5FFFF  }
0xad: {  	[dreg:$0x1] =	wrdreg $0xFFFFFFFF  }
0xae: {  	[dreg:$0x0] =	wrdreg $0x60  }
0xaf: {  	[dreg:$0x2] =	wrdreg s2  }
0xb0: {  	[dreg:$0x3] =	wrdreg s18  }
0xb1: {  	[dreg:$0x4] =	wrdreg s24  }
0xb2: {  	[dreg:$0x5] =	wrdreg $0x9  }
0xb3: {  	_ =	task.clear_ibuf [dreg:s8], $0x6FFFF;
	_ =	strace $0x90000046  }
0xb4: {  	s29 =	simm.s32 $0x9;
	_ =	strace $0x80000048  }
0xb5: {  	_ =	swait.ge [sflag:s29], $0x1  }
0xb6: {  	[sflag:s29] =	ssyncadd.s32 $0xFFFFFFFF  }
0xb7: {  	_ =	strace $0x90000048  }
0xb8: {  	_ =	sfence  }
0xb9: {  	s30 =	sld [smem:$0x0];
	_ =	sdelay $0x2  }
0xba: {  	s31 =	sshll.u32 s1, $0xD;
	s1 =	sshrl.u32 s1, $0x2  }
0xbb: {  	s3 =	sand.u32 $0x4000, s31;
	s1 =	sadd.s32 s1, s30  }
0xbc: {  	s0 =	sor.u32 s3, s0;
	s1 =	sshll.u32 s1, $0x11  }
0xbd: {  	s0 =	sor.u32 s1, s0  }
0xbe: {  	s0 =	sadd.s32 $0x8F2B, s0  }
0xbf: {  	[sflag:s0] =	ssyncadd.remote.s32 $0x1  }
0xc0: {  	_ =	sfence.sel $0xFFFF  }
0xc1: {  	[dreg:$0x0] =	wrdreg $0xFFFFFFFF;
	(pc) =	sbr.abs _section_cstart, $3  }
0xc2: {  	[dreg:$0x1] =	wrdreg $0xFFFFFFFF  }
0xc3: {  	_ =	task.clear_ibuf [dreg:s8], $0x2FFFF;
	_ =	strace $0x9FFFFFFF  }
0xc4: {  	(tm) =	ssettm $0x7FFFFFFF  }
0xc5: {  	_ =	shalt  }
tec
execute0_lowered:
.L_overlay_start_1:
0x0: {  	(tag) =	ssettag $0x1  }
0x1: {  	v0 =	vimm.s32 $0x1380  }
0x2: {  	vm14 =	vcmask $0x300;
	vm13 =	vcmask $0x704;
	vm12 =	vcmask $0xB08  }
0x3: {  	vm11 =	vcmask $0xF0C;
	vm10 =	vcmask $0x1310;
	vm9 =	vcmask $0x1714  }
0x4: {  	vm8 =	vcmask $0x1B18;
	vm7 =	vcmask $0x1F1C;
	vm6 =	vcmask $0x2320  }
0x5: {  	vm5 =	vcmask $0x2724;
	vm4 =	vcmask $0x2B28;
	vm3 =	vcmask $0x2F2C  }
0x6: {  	vm2 =	vcmask $0x3330;
	v1 =	vlaneseq.u32;
	vm1 =	vcmask $0x3734  }
0x7: {  	vm0 =	vcmask $0x3B38;
	v3 =	vimm.s32 $0x3380;
	v4 =	vimm.s32 $0x5380  }
0x8: {  	v5 =	vimm.s32 $0x7380;
	v0 =	vsel vm14, $0x0, v0;
	v3 =	vsel vm14, $0x2000, v3  }
0x9: {  	v4 =	vsel vm14, $0x4000, v4;
	v5 =	vsel vm14, $0x6000, v5;
	v0 =	vsel vm13, $0x80, v0  }
0xa: {  	v3 =	vsel vm13, $0x2080, v3;
	v4 =	vsel vm13, $0x4080, v4;
	v5 =	vsel vm13, $0x6080, v5  }
0xb: {  	v0 =	vsel vm12, $0x100, v0;
	v3 =	vsel vm12, $0x2100, v3;
	v4 =	vsel vm12, $0x4100, v4  }
0xc: {  	v5 =	vsel vm12, $0x6100, v5;
	v0 =	vsel vm11, $0x180, v0;
	v3 =	vsel vm11, $0x2180, v3  }
0xd: {  	v4 =	vsel vm11, $0x4180, v4;
	v5 =	vsel vm11, $0x6180, v5;
	v0 =	vsel vm10, $0x200, v0  }
0xe: {  	v3 =	vsel vm10, $0x2200, v3;
	v4 =	vsel vm10, $0x4200, v4;
	v5 =	vsel vm10, $0x6200, v5  }
0xf: {  	v0 =	vsel vm9, $0x280, v0;
	v3 =	vsel vm9, $0x2280, v3;
	v4 =	vsel vm9, $0x4280, v4  }
0x10: {  	v5 =	vsel vm9, $0x6280, v5;
	v0 =	vsel vm8, $0x300, v0;
	v3 =	vsel vm8, $0x2300, v3  }
0x11: {  	v4 =	vsel vm8, $0x4300, v4;
	v5 =	vsel vm8, $0x6300, v5;
	v0 =	vsel vm7, $0x380, v0  }
0x12: {  	v3 =	vsel vm7, $0x2380, v3;
	v4 =	vsel vm7, $0x4380, v4;
	v5 =	vsel vm7, $0x6380, v5  }
0x13: {  	v0 =	vsel vm6, $0x1000, v0;
	v3 =	vsel vm6, $0x3000, v3;
	v4 =	vsel vm6, $0x5000, v4  }
0x14: {  	v5 =	vsel vm6, $0x7000, v5;
	v0 =	vsel vm5, $0x1080, v0;
	v3 =	vsel vm5, $0x3080, v3  }
0x15: {  	v4 =	vsel vm5, $0x5080, v4;
	v5 =	vsel vm5, $0x7080, v5;
	v0 =	vsel vm4, $0x1100, v0  }
0x16: {  	v3 =	vsel vm4, $0x3100, v3;
	v4 =	vsel vm4, $0x5100, v4;
	v5 =	vsel vm4, $0x7100, v5  }
0x17: {  	v0 =	vsel vm3, $0x1180, v0;
	v3 =	vsel vm3, $0x3180, v3;
	v4 =	vsel vm3, $0x5180, v4  }
0x18: {  	v5 =	vsel vm3, $0x7180, v5;
	v2 =	vsel vm2, $0x1200, v0;
	v0 =	vmul.u32 $0x80, v1  }
0x19: {  	s4 =	rddreg [dreg:$0x0];
	v3 =	vsel vm2, $0x3200, v3;
	v4 =	vsel vm2, $0x5200, v4;
	v7 =	vsel vm2, $0x7200, v5  }
0x1a: {  	s0 =	rddreg [dreg:$0x1];
	v1 =	vsel vm1, $0x1280, v2;
	v3 =	vsel vm1, $0x3280, v3;
	v6 =	vsel vm1, $0x5280, v4  }
0x1b: {  	s5 =	rddreg [dreg:$0x2];
	s3 =	srdreg.scid;
	v7 =	vsel vm1, $0x7280, v7;
	v1 =	vsel vm0, $0x1300, v1;
	v2 =	vor.u32 $0x800, v0  }
0x1c: {  	s1 =	rddreg [dreg:$0x3];
	s2 =	stileid.u32;
	s10 =	simm.s32 $0x200;
	v3 =	vsel vm0, $0x3300, v3;
	v4 =	vor.u32 $0x1000, v0;
	v5 =	vsel vm0, $0x5300, v6  }
0x1d: {  	s11 =	simm.s32 $0x2200;
	s12 =	simm.s32 $0x4200;
	s13 =	simm.s32 $0x6200;
	v6 =	vor.u32 $0x1800, v0;
	v7 =	vsel vm0, $0x7300, v7;
	v8 =	vor.u32 $0x2000, v0  }
0x1e: {  	s14 =	simm.s32 $0x8200;
	s15 =	simm.s32 $0xA200;
	s16 =	simm.s32 $0xC200;
	v9 =	vor.u32 $0x2800, v0;
	v10 =	vor.u32 $0x3000, v0;
	v11 =	vor.u32 $0x3800, v0  }
0x1f: {  	s17 =	simm.s32 $0xE200;
	s18 =	simm.s32 $0x1;
	s19 =	simm.s32 $0x10200;
	v12 =	vor.u32 $0x4000, v0;
	v13 =	vor.u32 $0x4800, v0;
	v14 =	vor.u32 $0x5000, v0  }
0x20: {  	s20 =	simm.s32 $0x1000;
	s21 =	simm.s32 $0x20000;
	s22 =	simm.s32 $0x0;
	v15 =	vor.u32 $0x5800, v0;
	v16 =	vor.u32 $0x6000, v0;
	v17 =	vor.u32 $0x6800, v0  }
0x21: {  	s6 =	sand.u32 $0x1, s3;
	s3 =	simm.s32 $0x0;
	s7 =	sshll.u32 s2, $0xA;
	v18 =	vor.u32 $0x7000, v0;
	v19 =	vor.u32 $0x7800, v0;
	v20 =	vor.u32 $0x8000, v0  }
0x22: {  	s8 =	sshll.u32 s6, $0x9;
	[smem:$0x7FF] =	sst s3;
	s6 =	ssub.s32 $0x2, s6;
	v21 =	vor.u32 $0x8800, v0;
	v22 =	vor.u32 $0x9000, v0;
	v23 =	vor.u32 $0x9800, v0  }
0x23: {  	s7 =	sor.u32 s8, s7;
	_ =	strace $0x80000047;
	s31 =	sshrl.u32 s6, $0x1;
	v24 =	vor.u32 $0xA000, v0;
	v25 =	vor.u32 $0xA800, v0;
	v26 =	vor.u32 $0xB000, v0  }
0x24: {  	s8 =	simm.s32 $0x2;
	s9 =	sshrl.u32 s7, $0x3;
	s5 =	sadd.s32 s7, s5;
	v27 =	vor.u32 $0xB800, v0;
	v28 =	vor.u32 $0xC000, v0;
	v29 =	vor.u32 $0xC800, v0  }
0x25: {  	s6 =	ssub.s32 s6, s31;
	s7 =	simm.s32 $0x400;
	s4 =	sadd.s32 s4, s9;
	v30 =	vor.u32 $0xD000, v0;
	v31 =	vor.u32 $0xD800, v0;
	v32 =	vor.u32 $0xE000, v0  }
0x26: {  	s5 =	sadd.s32 $0x400, s5;
	s6 =	smax.u32 s6, $0x1;
	s9 =	simm.s32 $0x7A1400;
	v33 =	vor.u32 $0xE800, v0;
	v34 =	vor.u32 $0xF000, v0;
	v35 =	vor.u32 $0xF800, v0  }
.LBB2_1:
0x27: {  	[tilespmem:s3], [sflag:$0x2] =	stream.linear.gather [hbm4b:s4+s3], $0x200, $0x38;
	[tilespmem:$0x18200] =	vst v63  }
0x28: {  	_ =	swait.ge [sflag:s8], $0x200  }
0x29: {  	[sflag:s8] =	ssyncset.done $0x0  }
0x2a: {  	[sflag:s8] =	ssyncadd.s32 $0xFFFFFE00  }
0x2b: {  	v36 =	vld [tilespmem:$0x0];
	_ =	sdelay $0x4  }
0x2c: {  	v36 =	vshrl.u32 v36, $0x7  }
0x2d: {  	v36 =	vshll.u32 v36, $0x7  }
0x2e: {  	(v2sf) =	vpush v36, $0x0  }
0x2f: {  	(v2sf) =	vpush v36, $0x1;
	_ =	sdelay $0x1  }
0x30: {  	(v2sf) =	vpush v36, $0x2;
	_ =	sdelay $0x4  }
0x31: {  	(v2sf) =	vpush v36, $0x3  }
0x32: {  	(v2sf) =	vpush v36, $0x4;
	_ =	sdelay $0x5  }
0x33: {  	s23 =	spop (v2sf);
	(v2sf) =	vpush v36, $0x5  }
0x34: {  	s28 =	spop (v2sf);
	(v2sf) =	vpush v36, $0x6  }
0x35: {  	s23 =	sand.u32 $0x1FFFFF80, s23  }
0x36: {  	s23 =	sadd.s32 s0, s23;
	s29 =	spop (v2sf)  }
0x37: {  	(v2sf) =	vpush v36, $0x7;
	[tilespmem:s10], [sflag:$0x1] =	stream.strided.gather [hbm4b:s23+s7], $0x2000, s9, s7, $0x38;
	[tilespmem:$0x18200] =	vst v63  }
0x38: {  	s23 =	sand.u32 $0x1FFFFF80, s28  }
0x39: {  	s23 =	sadd.s32 s0, s23  }
0x3a: {  	[tilespmem:s11], [sflag:$0x1] =	stream.strided.gather [hbm4b:s23+s7], $0x2000, s9, s7, $0x38;
	[tilespmem:$0x18200] =	vst v63  }
0x3b: {  	s24 =	spop (v2sf);
	s23 =	sand.u32 $0x1FFFFF80, s29  }
0x3c: {  	s30 =	sand.u32 $0x1FFFFF80, s24;
	s31 =	spop (v2sf);
	s23 =	sadd.s32 s0, s23  }
0x3d: {  	[tilespmem:s12], [sflag:$0x1] =	stream.strided.gather [hbm4b:s23+s7], $0x2000, s9, s7, $0x38;
	[tilespmem:$0x18200] =	vst v63  }
0x3e: {  	s25 =	sand.u32 $0x1FFFFF80, s31;
	s23 =	sadd.s32 s0, s30  }
0x3f: {  	[tilespmem:s13], [sflag:$0x1] =	stream.strided.gather [hbm4b:s23+s7], $0x2000, s9, s7, $0x38;
	[tilespmem:$0x18200] =	vst v63  }
0x40: {  	s23 =	sadd.s32 s0, s25  }
0x41: {  	[tilespmem:s14], [sflag:$0x1] =	stream.strided.gather [hbm4b:s23+s7], $0x2000, s9, s7, $0x38;
	[tilespmem:$0x18200] =	vst v63  }
0x42: {  	s26 =	spop (v2sf)  }
0x43: {  	s28 =	sand.u32 $0x1FFFFF80, s26;
	s29 =	spop (v2sf)  }
0x44: {  	s23 =	sadd.s32 s0, s28;
	s30 =	sand.u32 $0x1FFFFF80, s29  }
0x45: {  	[tilespmem:s15], [sflag:$0x1] =	stream.strided.gather [hbm4b:s23+s7], $0x2000, s9, s7, $0x38;
	[tilespmem:$0x18200] =	vst v63  }
0x46: {  	s31 =	spop (v2sf);
	s23 =	sadd.s32 s0, s30  }
0x47: {  	[tilespmem:s16], [sflag:$0x1] =	stream.strided.gather [hbm4b:s23+s7], $0x2000, s9, s7, $0x38;
	[tilespmem:$0x18200] =	vst v63  }
0x48: {  	s23 =	sand.u32 $0x1FFFFF80, s31  }
0x49: {  	s23 =	sadd.s32 s0, s23  }
0x4a: {  	[tilespmem:s17], [sflag:$0x1] =	stream.strided.gather [hbm4b:s23+s7], $0x2000, s9, s7, $0x38;
	[tilespmem:$0x18200] =	vst v63  }
0x4b: {  	s24 =	simm.s32 $0x0;
	s23 =	simm.s32 $0x0  }
.LBB2_2:
0x4c: {  	v38 =	vld [tilespmem:s23+$0x0];
	_ =	sdelay $0x4  }
0x4d: {  	v36 =	vand.u32 $0x7F, v38  }
0x4e: {  	v39 =	vbroadcast v36, $0x0;
	_ =	sdelay $0x1  }
0x4f: {  	v40 =	vor.u32 v0, v39  }
0x50: {  	s25 =	smin.u32 s24, $0x1E0;
	v41 =	vmov s24  }
0x51: {  	v37 =	vld [tilespmem:s25+$0x10];
	_ =	swait.ge [sflag:s18], $0x2000;
	v42 =	vshll.u32 v41, $0x3  }
0x52: {  	v41 =	vand.u32 $0x70, v41;
	[sflag:s18] =	ssyncset.done $0x0;
	v42 =	vand.u32 $0xC00, v42  }
0x53: {  	[sflag:s18] =	ssyncadd.s32 $0xFFFFE000;
	v41 =	vor.u32 v41, v42  }
0x54: {  	v42 =	vor.u32 v1, v41;
	v40 =	vld.idx.msk [tilespmem:v40+s10+$0x0], $0xffff  }
0x55: {  	v43 =	vor.u32 v2, v39;
	_ =	sdelay $0x2  }
0x56: {  	v38 =	vshrl.u32 v38, $0x7  }
0x57: {  	v38 =	vshll.u32 v38, $0x7;
	[tilespmem:v42+s19+$0x0] =	vst.idx.msk $0xffff, v40  }
0x58: {  	v54 =	vor.u32 v3, v41;
	(v2sf) =	vpush v38, $0x8;
	v40 =	vld.idx.msk [tilespmem:v43+s10+$0x0], $0xffff  }
0x59: {  	v55 =	vor.u32 v4, v39;
	_ =	sdelay $0x3  }
0x5a: {  	[tilespmem:v54+s19+$0x0] =	vst.idx.msk $0xffff, v40  }
0x5b: {  	v56 =	vor.u32 v5, v41;
	v40 =	vld.idx.msk [tilespmem:v55+s10+$0x0], $0xffff  }
0x5c: {  	v39 =	vor.u32 v6, v39;
	_ =	sdelay $0x3  }
0x5d: {  	[tilespmem:v56+s19+$0x0] =	vst.idx.msk $0xffff, v40  }
0x5e: {  	v57 =	vor.u32 v7, v41;
	v39 =	vld.idx.msk [tilespmem:v39+s10+$0x0], $0xffff;
	_ =	sdelay $0x2  }
0x5f: {  	v58 =	vbroadcast v36, $0x1;
	s26 =	spop (v2sf)  }
0x60: {  	s25 =	sand.u32 $0x1FFFFF80, s26  }
0x61: {  	v59 =	vor.u32 v8, v58;
	s26 =	sadd.s32 $0x1, s24;
	s25 =	sadd.s32 s0, s25;
	[tilespmem:v57+s19+$0x0] =	vst.idx.msk $0xffff, v39  }
0x62: {  	v60 =	vmov s26;
	[tilespmem:s10], [sflag:$0x1] =	stream.strided.gather [hbm4b:s25+s7], $0x2000, s9, s7, $0x38;
	[tilespmem:$0x18200] =	vst v63  }
0x63: {  	v61 =	vshll.u32 v60, $0x3;
	_ =	swait.ge [sflag:s18], $0x2000  }
0x64: {  	v42 =	vand.u32 $0xC00, v61;
	v40 =	vand.u32 $0x71, v60;
	[sflag:s18] =	ssyncset.done $0x0  }
0x65: {  	v40 =	vor.u32 v40, v42;
	[sflag:s18] =	ssyncadd.s32 $0xFFFFE000  }
0x66: {  	v42 =	vor.u32 v1, v40;
	v39 =	vld.idx.msk [tilespmem:v59+s10+$0x0], $0xffff  }
0x67: {  	v62 =	vor.u32 v9, v58;
	_ =	sdelay $0x3  }
0x68: {  	[tilespmem:v42+s19+$0x0] =	vst.idx.msk $0xffff, v39  }
0x69: {  	v63 =	vor.u32 v3, v40;
	(v2sf) =	vpush v38, $0x9;
	v39 =	vld.idx.msk [tilespmem:v62+s10+$0x0], $0xffff  }
0x6a: {  	v45 =	vor.u32 v10, v58;
	_ =	sdelay $0x3  }
0x6b: {  	[tilespmem:v63+s19+$0x0] =	vst.idx.msk $0xffff, v39  }
0x6c: {  	v46 =	vor.u32 v5, v40;
	v39 =	vld.idx.msk [tilespmem:v45+s10+$0x0], $0xffff  }
0x6d: {  	v41 =	vor.u32 v11, v58;
	_ =	sdelay $0x3  }
0x6e: {  	[tilespmem:v46+s19+$0x0] =	vst.idx.msk $0xffff, v39  }
0x6f: {  	v40 =	vor.u32 v7, v40;
	v39 =	vld.idx.msk [tilespmem:v41+s10+$0x0], $0xffff;
	_ =	sdelay $0x2  }
0x70: {  	v47 =	vbroadcast v36, $0x2;
	s28 =	spop (v2sf)  }
0x71: {  	s25 =	sand.u32 $0x1FFFFF80, s28  }
0x72: {  	s29 =	sadd.s32 $0x2, s24;
	v48 =	vor.u32 v12, v47;
	s25 =	sadd.s32 s0, s25;
	[tilespmem:v40+s19+$0x0] =	vst.idx.msk $0xffff, v39  }
0x73: {  	v49 =	vmov s29;
	[tilespmem:s11], [sflag:$0x1] =	stream.strided.gather [hbm4b:s25+s7], $0x2000, s9, s7, $0x38;
	[tilespmem:$0x18200] =	vst v63  }
0x74: {  	v50 =	vshll.u32 v49, $0x3;
	_ =	swait.ge [sflag:s18], $0x2000  }
0x75: {  	v42 =	vand.u32 $0xC00, v50;
	v40 =	vand.u32 $0x72, v49;
	[sflag:s18] =	ssyncset.done $0x0  }
0x76: {  	v40 =	vor.u32 v40, v42;
	[sflag:s18] =	ssyncadd.s32 $0xFFFFE000  }
0x77: {  	v42 =	vor.u32 v1, v40;
	v39 =	vld.idx.msk [tilespmem:v48+s10+$0x0], $0xffff  }
0x78: {  	v51 =	vor.u32 v13, v47;
	_ =	sdelay $0x3  }
0x79: {  	[tilespmem:v42+s19+$0x0] =	vst.idx.msk $0xffff, v39  }
0x7a: {  	v52 =	vor.u32 v3, v40;
	(v2sf) =	vpush v38, $0xA;
	v39 =	vld.idx.msk [tilespmem:v51+s10+$0x0], $0xffff  }
0x7b: {  	v53 =	vor.u32 v14, v47;
	_ =	sdelay $0x3  }
0x7c: {  	[tilespmem:v52+s19+$0x0] =	vst.idx.msk $0xffff, v39  }
0x7d: {  	v54 =	vor.u32 v5, v40;
	v39 =	vld.idx.msk [tilespmem:v53+s10+$0x0], $0xffff  }
0x7e: {  	v41 =	vor.u32 v15, v47;
	_ =	sdelay $0x3  }
0x7f: {  	[tilespmem:v54+s19+$0x0] =	vst.idx.msk $0xffff, v39  }
0x80: {  	v40 =	vor.u32 v7, v40;
	v39 =	vld.idx.msk [tilespmem:v41+s10+$0x0], $0xffff;
	_ =	sdelay $0x2  }
0x81: {  	v55 =	vbroadcast v36, $0x3;
	s30 =	spop (v2sf)  }
0x82: {  	s25 =	sand.u32 $0x1FFFFF80, s30  }
0x83: {  	s31 =	sadd.s32 $0x3, s24;
	v56 =	vor.u32 v16, v55;
	s25 =	sadd.s32 s0, s25;
	[tilespmem:v40+s19+$0x0] =	vst.idx.msk $0xffff, v39  }
0x84: {  	v57 =	vmov s31;
	[tilespmem:s12], [sflag:$0x1] =	stream.strided.gather [hbm4b:s25+s7], $0x2000, s9, s7, $0x38;
	[tilespmem:$0x18200] =	vst v63  }
0x85: {  	v58 =	vshll.u32 v57, $0x3;
	_ =	swait.ge [sflag:s18], $0x2000  }
0x86: {  	v42 =	vand.u32 $0xC00, v58;
	v40 =	vand.u32 $0x73, v57;
	[sflag:s18] =	ssyncset.done $0x0  }
0x87: {  	v40 =	vor.u32 v40, v42;
	[sflag:s18] =	ssyncadd.s32 $0xFFFFE000  }
0x88: {  	v42 =	vor.u32 v1, v40;
	v39 =	vld.idx.msk [tilespmem:v56+s10+$0x0], $0xffff  }
0x89: {  	v59 =	vor.u32 v17, v55;
	_ =	sdelay $0x3  }
0x8a: {  	[tilespmem:v42+s19+$0x0] =	vst.idx.msk $0xffff, v39  }
0x8b: {  	v60 =	vor.u32 v3, v40;
	(v2sf) =	vpush v38, $0xB;
	v39 =	vld.idx.msk [tilespmem:v59+s10+$0x0], $0xffff  }
0x8c: {  	v61 =	vor.u32 v18, v55;
	_ =	sdelay $0x3  }
0x8d: {  	[tilespmem:v60+s19+$0x0] =	vst.idx.msk $0xffff, v39  }
0x8e: {  	v62 =	vor.u32 v5, v40;
	v39 =	vld.idx.msk [tilespmem:v61+s10+$0x0], $0xffff  }
0x8f: {  	v41 =	vor.u32 v19, v55;
	_ =	sdelay $0x3  }
0x90: {  	[tilespmem:v62+s19+$0x0] =	vst.idx.msk $0xffff, v39  }
0x91: {  	v40 =	vor.u32 v7, v40;
	v39 =	vld.idx.msk [tilespmem:v41+s10+$0x0], $0xffff;
	_ =	sdelay $0x2  }
0x92: {  	v63 =	vbroadcast v36, $0x4;
	s28 =	spop (v2sf)  }
0x93: {  	s25 =	sand.u32 $0x1FFFFF80, s28  }
0x94: {  	s29 =	sadd.s32 $0x4, s24;
	v45 =	vor.u32 v20, v63;
	s25 =	sadd.s32 s0, s25;
	[tilespmem:v40+s19+$0x0] =	vst.idx.msk $0xffff, v39  }
0x95: {  	v46 =	vmov s29;
	[tilespmem:s13], [sflag:$0x1] =	stream.strided.gather [hbm4b:s25+s7], $0x2000, s9, s7, $0x38;
	[tilespmem:$0x18200] =	vst v63  }
0x96: {  	v47 =	vshll.u32 v46, $0x3;
	_ =	swait.ge [sflag:s18], $0x2000  }
0x97: {  	v42 =	vand.u32 $0xC00, v47;
	v40 =	vand.u32 $0x74, v46;
	[sflag:s18] =	ssyncset.done $0x0  }
0x98: {  	v40 =	vor.u32 v40, v42;
	[sflag:s18] =	ssyncadd.s32 $0xFFFFE000  }
0x99: {  	v42 =	vor.u32 v1, v40;
	v39 =	vld.idx.msk [tilespmem:v45+s10+$0x0], $0xffff  }
0x9a: {  	v48 =	vor.u32 v21, v63;
	_ =	sdelay $0x3  }
0x9b: {  	[tilespmem:v42+s19+$0x0] =	vst.idx.msk $0xffff, v39  }
0x9c: {  	v49 =	vor.u32 v3, v40;
	(v2sf) =	vpush v38, $0xC;
	v39 =	vld.idx.msk [tilespmem:v48+s10+$0x0], $0xffff  }
0x9d: {  	v50 =	vor.u32 v22, v63;
	_ =	sdelay $0x3  }
0x9e: {  	[tilespmem:v49+s19+$0x0] =	vst.idx.msk $0xffff, v39  }
0x9f: {  	v51 =	vor.u32 v5, v40;
	v39 =	vld.idx.msk [tilespmem:v50+s10+$0x0], $0xffff  }
0xa0: {  	v41 =	vor.u32 v23, v63;
	_ =	sdelay $0x3  }
0xa1: {  	[tilespmem:v51+s19+$0x0] =	vst.idx.msk $0xffff, v39  }
0xa2: {  	v40 =	vor.u32 v7, v40;
	v39 =	vld.idx.msk [tilespmem:v41+s10+$0x0], $0xffff;
	_ =	sdelay $0x2  }
0xa3: {  	v52 =	vbroadcast v36, $0x5;
	s30 =	spop (v2sf)  }
0xa4: {  	s25 =	sand.u32 $0x1FFFFF80, s30  }
0xa5: {  	s31 =	sadd.s32 $0x5, s24;
	v53 =	vor.u32 v24, v52;
	s25 =	sadd.s32 s0, s25;
	[tilespmem:v40+s19+$0x0] =	vst.idx.msk $0xffff, v39  }
0xa6: {  	v54 =	vmov s31;
	[tilespmem:s14], [sflag:$0x1] =	stream.strided.gather [hbm4b:s25+s7], $0x2000, s9, s7, $0x38;
	[tilespmem:$0x18200] =	vst v63  }
0xa7: {  	v55 =	vshll.u32 v54, $0x3;
	_ =	swait.ge [sflag:s18], $0x2000  }
0xa8: {  	v42 =	vand.u32 $0xC00, v55;
	v40 =	vand.u32 $0x75, v54;
	[sflag:s18] =	ssyncset.done $0x0  }
0xa9: {  	v40 =	vor.u32 v40, v42;
	[sflag:s18] =	ssyncadd.s32 $0xFFFFE000  }
0xaa: {  	v42 =	vor.u32 v1, v40;
	v39 =	vld.idx.msk [tilespmem:v53+s10+$0x0], $0xffff  }
0xab: {  	v56 =	vor.u32 v25, v52;
	_ =	sdelay $0x3  }
0xac: {  	[tilespmem:v42+s19+$0x0] =	vst.idx.msk $0xffff, v39  }
0xad: {  	v57 =	vor.u32 v3, v40;
	(v2sf) =	vpush v38, $0xD;
	v39 =	vld.idx.msk [tilespmem:v56+s10+$0x0], $0xffff  }
0xae: {  	v58 =	vor.u32 v26, v52;
	_ =	sdelay $0x3  }
0xaf: {  	[tilespmem:v57+s19+$0x0] =	vst.idx.msk $0xffff, v39  }
0xb0: {  	v59 =	vor.u32 v5, v40;
	v39 =	vld.idx.msk [tilespmem:v58+s10+$0x0], $0xffff  }
0xb1: {  	v41 =	vor.u32 v27, v52;
	_ =	sdelay $0x3  }
0xb2: {  	[tilespmem:v59+s19+$0x0] =	vst.idx.msk $0xffff, v39  }
0xb3: {  	v40 =	vor.u32 v7, v40;
	v39 =	vld.idx.msk [tilespmem:v41+s10+$0x0], $0xffff;
	_ =	sdelay $0x2  }
0xb4: {  	v60 =	vbroadcast v36, $0x6;
	s28 =	spop (v2sf)  }
0xb5: {  	s25 =	sand.u32 $0x1FFFFF80, s28  }
0xb6: {  	s29 =	sadd.s32 $0x6, s24;
	v61 =	vor.u32 v28, v60;
	s25 =	sadd.s32 s0, s25;
	[tilespmem:v40+s19+$0x0] =	vst.idx.msk $0xffff, v39  }
0xb7: {  	v62 =	vmov s29;
	[tilespmem:s15], [sflag:$0x1] =	stream.strided.gather [hbm4b:s25+s7], $0x2000, s9, s7, $0x38;
	[tilespmem:$0x18200] =	vst v63  }
0xb8: {  	v63 =	vshll.u32 v62, $0x3;
	_ =	swait.ge [sflag:s18], $0x2000  }
0xb9: {  	v42 =	vand.u32 $0xC00, v63;
	v40 =	vand.u32 $0x76, v62;
	[sflag:s18] =	ssyncset.done $0x0  }
0xba: {  	v40 =	vor.u32 v40, v42;
	[sflag:s18] =	ssyncadd.s32 $0xFFFFE000  }
0xbb: {  	v42 =	vor.u32 v1, v40;
	v39 =	vld.idx.msk [tilespmem:v61+s10+$0x0], $0xffff  }
0xbc: {  	v45 =	vor.u32 v29, v60;
	_ =	sdelay $0x3  }
0xbd: {  	[tilespmem:v42+s19+$0x0] =	vst.idx.msk $0xffff, v39  }
0xbe: {  	v46 =	vor.u32 v3, v40;
	(v2sf) =	vpush v38, $0xE;
	v39 =	vld.idx.msk [tilespmem:v45+s10+$0x0], $0xffff  }
0xbf: {  	v47 =	vor.u32 v30, v60;
	_ =	sdelay $0x3  }
0xc0: {  	[tilespmem:v46+s19+$0x0] =	vst.idx.msk $0xffff, v39  }
0xc1: {  	v48 =	vor.u32 v5, v40;
	v39 =	vld.idx.msk [tilespmem:v47+s10+$0x0], $0xffff  }
0xc2: {  	v41 =	vor.u32 v31, v60;
	_ =	sdelay $0x3  }
0xc3: {  	[tilespmem:v48+s19+$0x0] =	vst.idx.msk $0xffff, v39  }
0xc4: {  	v40 =	vor.u32 v7, v40;
	v39 =	vld.idx.msk [tilespmem:v41+s10+$0x0], $0xffff;
	_ =	sdelay $0x2  }
0xc5: {  	v49 =	vbroadcast v36, $0x7;
	s30 =	spop (v2sf)  }
0xc6: {  	s25 =	sand.u32 $0x1FFFFF80, s30  }
0xc7: {  	s31 =	sadd.s32 $0x7, s24;
	v50 =	vor.u32 v32, v49;
	s25 =	sadd.s32 s0, s25;
	[tilespmem:v40+s19+$0x0] =	vst.idx.msk $0xffff, v39  }
0xc8: {  	v51 =	vmov s31;
	[tilespmem:s16], [sflag:$0x1] =	stream.strided.gather [hbm4b:s25+s7], $0x2000, s9, s7, $0x38;
	[tilespmem:$0x18200] =	vst v63  }
0xc9: {  	v52 =	vshll.u32 v51, $0x3;
	_ =	swait.ge [sflag:s18], $0x2000  }
0xca: {  	v42 =	vand.u32 $0xC00, v52;
	v40 =	vand.u32 $0x77, v51;
	[sflag:s18] =	ssyncset.done $0x0  }
0xcb: {  	v40 =	vor.u32 v40, v42;
	[sflag:s18] =	ssyncadd.s32 $0xFFFFE000  }
0xcc: {  	v42 =	vor.u32 v1, v40;
	v39 =	vld.idx.msk [tilespmem:v50+s10+$0x0], $0xffff  }
0xcd: {  	v53 =	vor.u32 v33, v49;
	_ =	sdelay $0x3  }
0xce: {  	[tilespmem:v42+s19+$0x0] =	vst.idx.msk $0xffff, v39  }
0xcf: {  	v54 =	vor.u32 v3, v40;
	(v2sf) =	vpush v38, $0xF;
	v39 =	vld.idx.msk [tilespmem:v53+s10+$0x0], $0xffff  }
0xd0: {  	v55 =	vor.u32 v34, v49;
	_ =	sdelay $0x3  }
0xd1: {  	[tilespmem:v54+s19+$0x0] =	vst.idx.msk $0xffff, v39  }
0xd2: {  	v56 =	vor.u32 v5, v40;
	v38 =	vld.idx.msk [tilespmem:v55+s10+$0x0], $0xffff  }
0xd3: {  	v41 =	vor.u32 v35, v49;
	_ =	sdelay $0x3  }
0xd4: {  	[tilespmem:v56+s19+$0x0] =	vst.idx.msk $0xffff, v38  }
0xd5: {  	v57 =	vor.u32 v7, v40;
	v38 =	vld.idx.msk [tilespmem:v41+s10+$0x0], $0xffff;
	_ =	sdelay $0x2  }
0xd6: {  	v58 =	vbroadcast v36, $0x8;
	s28 =	spop (v2sf)  }
0xd7: {  	s25 =	sand.u32 $0x1FFFFF80, s28  }
0xd8: {  	s29 =	sadd.s32 $0x8, s24;
	v59 =	vor.u32 v0, v58;
	s25 =	sadd.s32 s0, s25;
	[tilespmem:v57+s19+$0x0] =	vst.idx.msk $0xffff, v38  }
0xd9: {  	v60 =	vmov s29;
	[tilespmem:s17], [sflag:$0x1] =	stream.strided.gather [hbm4b:s25+s7], $0x2000, s9, s7, $0x38;
	[tilespmem:$0x18200] =	vst v63  }
0xda: {  	v61 =	vshll.u32 v60, $0x3;
	_ =	swait.ge [sflag:s18], $0x2000  }
0xdb: {  	v39 =	vand.u32 $0x78, v60;
	v41 =	vand.u32 $0xC00, v61;
	[sflag:s18] =	ssyncset.done $0x0  }
0xdc: {  	v39 =	vor.u32 v39, v41;
	[sflag:s18] =	ssyncadd.s32 $0xFFFFE000  }
0xdd: {  	v41 =	vor.u32 v1, v39;
	v38 =	vld.idx.msk [tilespmem:v59+s10+$0x0], $0xffff  }
0xde: {  	v62 =	vor.u32 v2, v58;
	_ =	sdelay $0x2  }
0xdf: {  	v37 =	vshrl.u32 v37, $0x7  }
0xe0: {  	v37 =	vshll.u32 v37, $0x7;
	[tilespmem:v41+s19+$0x0] =	vst.idx.msk $0xffff, v38  }
0xe1: {  	v63 =	vor.u32 v3, v39;
	(v2sf) =	vpush v37, $0x0;
	v38 =	vld.idx.msk [tilespmem:v62+s10+$0x0], $0xffff  }
0xe2: {  	v45 =	vor.u32 v4, v58;
	_ =	sdelay $0x3  }
0xe3: {  	[tilespmem:v63+s19+$0x0] =	vst.idx.msk $0xffff, v38  }
0xe4: {  	v46 =	vor.u32 v5, v39;
	v38 =	vld.idx.msk [tilespmem:v45+s10+$0x0], $0xffff  }
0xe5: {  	v40 =	vor.u32 v6, v58;
	_ =	sdelay $0x3  }
0xe6: {  	[tilespmem:v46+s19+$0x0] =	vst.idx.msk $0xffff, v38  }
0xe7: {  	v39 =	vor.u32 v7, v39;
	v38 =	vld.idx.msk [tilespmem:v40+s10+$0x0], $0xffff;
	_ =	sdelay $0x2  }
0xe8: {  	v47 =	vbroadcast v36, $0x9;
	s30 =	spop (v2sf)  }
0xe9: {  	s25 =	sand.u32 $0x1FFFFF80, s30  }
0xea: {  	s31 =	sadd.s32 $0x9, s24;
	v48 =	vor.u32 v8, v47;
	s25 =	sadd.s32 s0, s25;
	[tilespmem:v39+s19+$0x0] =	vst.idx.msk $0xffff, v38  }
0xeb: {  	v49 =	vmov s31;
	[tilespmem:s10], [sflag:$0x1] =	stream.strided.gather [hbm4b:s25+s7], $0x2000, s9, s7, $0x38;
	[tilespmem:$0x18200] =	vst v63  }
0xec: {  	v50 =	vshll.u32 v49, $0x3;
	_ =	swait.ge [sflag:s18], $0x2000  }
0xed: {  	v41 =	vand.u32 $0xC00, v50;
	v39 =	vand.u32 $0x79, v49;
	[sflag:s18] =	ssyncset.done $0x0  }
0xee: {  	v39 =	vor.u32 v39, v41;
	[sflag:s18] =	ssyncadd.s32 $0xFFFFE000  }
0xef: {  	v41 =	vor.u32 v1, v39;
	v38 =	vld.idx.msk [tilespmem:v48+s10+$0x0], $0xffff  }
0xf0: {  	v51 =	vor.u32 v9, v47;
	_ =	sdelay $0x3  }
0xf1: {  	[tilespmem:v41+s19+$0x0] =	vst.idx.msk $0xffff, v38  }
0xf2: {  	v52 =	vor.u32 v3, v39;
	(v2sf) =	vpush v37, $0x1;
	v38 =	vld.idx.msk [tilespmem:v51+s10+$0x0], $0xffff  }
0xf3: {  	v53 =	vor.u32 v10, v47;
	_ =	sdelay $0x3  }
0xf4: {  	[tilespmem:v52+s19+$0x0] =	vst.idx.msk $0xffff, v38  }
0xf5: {  	v54 =	vor.u32 v5, v39;
	v38 =	vld.idx.msk [tilespmem:v53+s10+$0x0], $0xffff  }
0xf6: {  	v40 =	vor.u32 v11, v47;
	_ =	sdelay $0x3  }
0xf7: {  	[tilespmem:v54+s19+$0x0] =	vst.idx.msk $0xffff, v38  }
0xf8: {  	v39 =	vor.u32 v7, v39;
	v38 =	vld.idx.msk [tilespmem:v40+s10+$0x0], $0xffff;
	_ =	sdelay $0x2  }
0xf9: {  	v55 =	vbroadcast v36, $0xA;
	s28 =	spop (v2sf)  }
0xfa: {  	s25 =	sand.u32 $0x1FFFFF80, s28  }
0xfb: {  	s29 =	sadd.s32 $0xA, s24;
	v56 =	vor.u32 v12, v55;
	s25 =	sadd.s32 s0, s25;
	[tilespmem:v39+s19+$0x0] =	vst.idx.msk $0xffff, v38  }
0xfc: {  	v57 =	vmov s29;
	[tilespmem:s11], [sflag:$0x1] =	stream.strided.gather [hbm4b:s25+s7], $0x2000, s9, s7, $0x38;
	[tilespmem:$0x18200] =	vst v63  }
0xfd: {  	v58 =	vshll.u32 v57, $0x3;
	_ =	swait.ge [sflag:s18], $0x2000  }
0xfe: {  	v41 =	vand.u32 $0xC00, v58;
	v39 =	vand.u32 $0x7A, v57;
	[sflag:s18] =	ssyncset.done $0x0  }
0xff: {  	v39 =	vor.u32 v39, v41;
	[sflag:s18] =	ssyncadd.s32 $0xFFFFE000  }
0x100: {  	v41 =	vor.u32 v1, v39;
	v38 =	vld.idx.msk [tilespmem:v56+s10+$0x0], $0xffff  }
0x101: {  	v59 =	vor.u32 v13, v55;
	_ =	sdelay $0x3  }
0x102: {  	[tilespmem:v41+s19+$0x0] =	vst.idx.msk $0xffff, v38  }
0x103: {  	v60 =	vor.u32 v3, v39;
	(v2sf) =	vpush v37, $0x2;
	v38 =	vld.idx.msk [tilespmem:v59+s10+$0x0], $0xffff  }
0x104: {  	v61 =	vor.u32 v14, v55;
	_ =	sdelay $0x3  }
0x105: {  	[tilespmem:v60+s19+$0x0] =	vst.idx.msk $0xffff, v38  }
0x106: {  	v62 =	vor.u32 v5, v39;
	v38 =	vld.idx.msk [tilespmem:v61+s10+$0x0], $0xffff  }
0x107: {  	v40 =	vor.u32 v15, v55;
	_ =	sdelay $0x3  }
0x108: {  	[tilespmem:v62+s19+$0x0] =	vst.idx.msk $0xffff, v38  }
0x109: {  	v39 =	vor.u32 v7, v39;
	v38 =	vld.idx.msk [tilespmem:v40+s10+$0x0], $0xffff;
	_ =	sdelay $0x2  }
0x10a: {  	v63 =	vbroadcast v36, $0xB;
	s30 =	spop (v2sf)  }
0x10b: {  	s25 =	sand.u32 $0x1FFFFF80, s30  }
0x10c: {  	s31 =	sadd.s32 $0xB, s24;
	v44 =	vor.u32 v16, v63;
	s25 =	sadd.s32 s0, s25;
	[tilespmem:v39+s19+$0x0] =	vst.idx.msk $0xffff, v38  }
0x10d: {  	v45 =	vmov s31;
	[tilespmem:s12], [sflag:$0x1] =	stream.strided.gather [hbm4b:s25+s7], $0x2000, s9, s7, $0x38;
	[tilespmem:$0x18200] =	vst v63  }
0x10e: {  	v46 =	vshll.u32 v45, $0x3;
	_ =	swait.ge [sflag:s18], $0x2000  }
0x10f: {  	v41 =	vand.u32 $0xC00, v46;
	v39 =	vand.u32 $0x7B, v45;
	[sflag:s18] =	ssyncset.done $0x0  }
0x110: {  	v39 =	vor.u32 v39, v41;
	[sflag:s18] =	ssyncadd.s32 $0xFFFFE000  }
0x111: {  	v41 =	vor.u32 v1, v39;
	v38 =	vld.idx.msk [tilespmem:v44+s10+$0x0], $0xffff  }
0x112: {  	v47 =	vor.u32 v17, v63;
	_ =	sdelay $0x3  }
0x113: {  	[tilespmem:v41+s19+$0x0] =	vst.idx.msk $0xffff, v38  }
0x114: {  	v48 =	vor.u32 v3, v39;
	(v2sf) =	vpush v37, $0x3;
	v38 =	vld.idx.msk [tilespmem:v47+s10+$0x0], $0xffff  }
0x115: {  	v49 =	vor.u32 v18, v63;
	_ =	sdelay $0x3  }
0x116: {  	[tilespmem:v48+s19+$0x0] =	vst.idx.msk $0xffff, v38  }
0x117: {  	v50 =	vor.u32 v5, v39;
	v38 =	vld.idx.msk [tilespmem:v49+s10+$0x0], $0xffff  }
0x118: {  	v40 =	vor.u32 v19, v63;
	_ =	sdelay $0x3  }
0x119: {  	[tilespmem:v50+s19+$0x0] =	vst.idx.msk $0xffff, v38  }
0x11a: {  	v39 =	vor.u32 v7, v39;
	v38 =	vld.idx.msk [tilespmem:v40+s10+$0x0], $0xffff;
	_ =	sdelay $0x2  }
0x11b: {  	v51 =	vbroadcast v36, $0xC;
	s28 =	spop (v2sf)  }
0x11c: {  	s25 =	sand.u32 $0x1FFFFF80, s28  }
0x11d: {  	s29 =	sadd.s32 $0xC, s24;
	v52 =	vor.u32 v20, v51;
	s25 =	sadd.s32 s0, s25;
	[tilespmem:v39+s19+$0x0] =	vst.idx.msk $0xffff, v38  }
0x11e: {  	v53 =	vmov s29;
	[tilespmem:s13], [sflag:$0x1] =	stream.strided.gather [hbm4b:s25+s7], $0x2000, s9, s7, $0x38;
	[tilespmem:$0x18200] =	vst v63  }
0x11f: {  	v54 =	vshll.u32 v53, $0x3;
	_ =	swait.ge [sflag:s18], $0x2000  }
0x120: {  	v41 =	vand.u32 $0xC00, v54;
	v39 =	vand.u32 $0x7C, v53;
	[sflag:s18] =	ssyncset.done $0x0  }
0x121: {  	v39 =	vor.u32 v39, v41;
	[sflag:s18] =	ssyncadd.s32 $0xFFFFE000  }
0x122: {  	v41 =	vor.u32 v1, v39;
	v38 =	vld.idx.msk [tilespmem:v52+s10+$0x0], $0xffff  }
0x123: {  	v55 =	vor.u32 v21, v51;
	_ =	sdelay $0x3  }
0x124: {  	[tilespmem:v41+s19+$0x0] =	vst.idx.msk $0xffff, v38  }
0x125: {  	v56 =	vor.u32 v3, v39;
	(v2sf) =	vpush v37, $0x4;
	v38 =	vld.idx.msk [tilespmem:v55+s10+$0x0], $0xffff  }
0x126: {  	v57 =	vor.u32 v22, v51;
	_ =	sdelay $0x3  }
0x127: {  	[tilespmem:v56+s19+$0x0] =	vst.idx.msk $0xffff, v38  }
0x128: {  	v58 =	vor.u32 v5, v39;
	v38 =	vld.idx.msk [tilespmem:v57+s10+$0x0], $0xffff  }
0x129: {  	v40 =	vor.u32 v23, v51;
	_ =	sdelay $0x3  }
0x12a: {  	[tilespmem:v58+s19+$0x0] =	vst.idx.msk $0xffff, v38  }
0x12b: {  	v39 =	vor.u32 v7, v39;
	v38 =	vld.idx.msk [tilespmem:v40+s10+$0x0], $0xffff;
	_ =	sdelay $0x2  }
0x12c: {  	v59 =	vbroadcast v36, $0xD;
	s30 =	spop (v2sf)  }
0x12d: {  	s25 =	sand.u32 $0x1FFFFF80, s30  }
0x12e: {  	s31 =	sadd.s32 $0xD, s24;
	v60 =	vor.u32 v24, v59;
	s25 =	sadd.s32 s0, s25;
	[tilespmem:v39+s19+$0x0] =	vst.idx.msk $0xffff, v38  }
0x12f: {  	v61 =	vmov s31;
	[tilespmem:s14], [sflag:$0x1] =	stream.strided.gather [hbm4b:s25+s7], $0x2000, s9, s7, $0x38;
	[tilespmem:$0x18200] =	vst v63  }
0x130: {  	v62 =	vshll.u32 v61, $0x3;
	_ =	swait.ge [sflag:s18], $0x2000  }
0x131: {  	v41 =	vand.u32 $0xC00, v62;
	v39 =	vand.u32 $0x7D, v61;
	[sflag:s18] =	ssyncset.done $0x0  }
0x132: {  	v39 =	vor.u32 v39, v41;
	[sflag:s18] =	ssyncadd.s32 $0xFFFFE000  }
0x133: {  	v41 =	vor.u32 v1, v39;
	v38 =	vld.idx.msk [tilespmem:v60+s10+$0x0], $0xffff  }
0x134: {  	v63 =	vor.u32 v25, v59;
	_ =	sdelay $0x3  }
0x135: {  	[tilespmem:v41+s19+$0x0] =	vst.idx.msk $0xffff, v38  }
0x136: {  	v45 =	vor.u32 v3, v39;
	(v2sf) =	vpush v37, $0x5;
	v38 =	vld.idx.msk [tilespmem:v63+s10+$0x0], $0xffff  }
0x137: {  	v46 =	vor.u32 v26, v59;
	_ =	sdelay $0x3  }
0x138: {  	[tilespmem:v45+s19+$0x0] =	vst.idx.msk $0xffff, v38  }
0x139: {  	v47 =	vor.u32 v5, v39;
	v38 =	vld.idx.msk [tilespmem:v46+s10+$0x0], $0xffff  }
0x13a: {  	v40 =	vor.u32 v27, v59;
	_ =	sdelay $0x3  }
0x13b: {  	[tilespmem:v47+s19+$0x0] =	vst.idx.msk $0xffff, v38  }
0x13c: {  	v39 =	vor.u32 v7, v39;
	v38 =	vld.idx.msk [tilespmem:v40+s10+$0x0], $0xffff;
	_ =	sdelay $0x2  }
0x13d: {  	v48 =	vbroadcast v36, $0xE;
	s26 =	spop (v2sf)  }
0x13e: {  	s25 =	sand.u32 $0x1FFFFF80, s26  }
0x13f: {  	v49 =	vor.u32 v28, v48;
	s28 =	sadd.s32 $0xE, s24;
	s25 =	sadd.s32 s0, s25;
	[tilespmem:v39+s19+$0x0] =	vst.idx.msk $0xffff, v38  }
0x140: {  	v50 =	vmov s28;
	[tilespmem:s15], [sflag:$0x1] =	stream.strided.gather [hbm4b:s25+s7], $0x2000, s9, s7, $0x38;
	[tilespmem:$0x18200] =	vst v63  }
0x141: {  	v51 =	vshll.u32 v50, $0x3;
	_ =	swait.ge [sflag:s18], $0x2000  }
0x142: {  	v41 =	vand.u32 $0xC00, v51;
	v39 =	vand.u32 $0x7E, v50;
	[sflag:s18] =	ssyncset.done $0x0  }
0x143: {  	v39 =	vor.u32 v39, v41;
	[sflag:s18] =	ssyncadd.s32 $0xFFFFE000  }
0x144: {  	v41 =	vor.u32 v1, v39;
	v38 =	vld.idx.msk [tilespmem:v49+s10+$0x0], $0xffff  }
0x145: {  	v52 =	vor.u32 v29, v48;
	_ =	sdelay $0x3  }
0x146: {  	[tilespmem:v41+s19+$0x0] =	vst.idx.msk $0xffff, v38  }
0x147: {  	v53 =	vor.u32 v3, v39;
	(v2sf) =	vpush v37, $0x6;
	v38 =	vld.idx.msk [tilespmem:v52+s10+$0x0], $0xffff  }
0x148: {  	v54 =	vor.u32 v30, v48;
	_ =	sdelay $0x3  }
0x149: {  	[tilespmem:v53+s19+$0x0] =	vst.idx.msk $0xffff, v38  }
0x14a: {  	v55 =	vor.u32 v5, v39;
	v38 =	vld.idx.msk [tilespmem:v54+s10+$0x0], $0xffff  }
0x14b: {  	v40 =	vor.u32 v31, v48;
	_ =	sdelay $0x3  }
0x14c: {  	[tilespmem:v55+s19+$0x0] =	vst.idx.msk $0xffff, v38  }
0x14d: {  	v39 =	vor.u32 v7, v39;
	v38 =	vld.idx.msk [tilespmem:v40+s10+$0x0], $0xffff;
	_ =	sdelay $0x2  }
0x14e: {  	v36 =	vbroadcast v36, $0xF;
	s29 =	spop (v2sf)  }
0x14f: {  	s25 =	sand.u32 $0x1FFFFF80, s29  }
0x150: {  	v56 =	vor.u32 v32, v36;
	s30 =	sadd.s32 $0xF, s24;
	s25 =	sadd.s32 s0, s25;
	[tilespmem:v39+s19+$0x0] =	vst.idx.msk $0xffff, v38  }
0x151: {  	v57 =	vmov s30;
	[tilespmem:s16], [sflag:$0x1] =	stream.strided.gather [hbm4b:s25+s7], $0x2000, s9, s7, $0x38;
	[tilespmem:$0x18200] =	vst v63  }
0x152: {  	v58 =	vshll.u32 v57, $0x3;
	_ =	swait.ge [sflag:s18], $0x2000  }
0x153: {  	v40 =	vand.u32 $0xC00, v58;
	v39 =	vand.u32 $0x7F, v57;
	[sflag:s18] =	ssyncset.done $0x0  }
0x154: {  	v39 =	vor.u32 v39, v40;
	[sflag:s18] =	ssyncadd.s32 $0xFFFFE000  }
0x155: {  	v40 =	vor.u32 v1, v39;
	v38 =	vld.idx.msk [tilespmem:v56+s10+$0x0], $0xffff  }
0x156: {  	v59 =	vor.u32 v33, v36;
	_ =	sdelay $0x3  }
0x157: {  	[tilespmem:v40+s19+$0x0] =	vst.idx.msk $0xffff, v38  }
0x158: {  	v60 =	vor.u32 v3, v39;
	(v2sf) =	vpush v37, $0x7;
	v38 =	vld.idx.msk [tilespmem:v59+s10+$0x0], $0xffff  }
0x159: {  	v61 =	vor.u32 v34, v36;
	_ =	sdelay $0x3  }
0x15a: {  	[tilespmem:v60+s19+$0x0] =	vst.idx.msk $0xffff, v38  }
0x15b: {  	v62 =	vor.u32 v5, v39;
	v37 =	vld.idx.msk [tilespmem:v61+s10+$0x0], $0xffff  }
0x15c: {  	v36 =	vor.u32 v35, v36;
	_ =	sdelay $0x3  }
0x15d: {  	[tilespmem:v62+s19+$0x0] =	vst.idx.msk $0xffff, v37  }
0x15e: {  	v63 =	vor.u32 v7, v39;
	v36 =	vld.idx.msk [tilespmem:v36+s10+$0x0], $0xffff  }
0x15f: {  	p0 =	sne.s32 s24, $0x1F0  }
.Ltmp0:
0x160: {  	_ = 	snop;
	(pc) =	sbr.rel @p0 .LBB2_2-.Ltmp0, $4  }
0x161: {  	s31 =	spop (v2sf)  }
0x162: {  	s25 =	sand.u32 $0x1FFFFF80, s31  }
0x163: {  	s23 =	sadd.s32 $0x10, s23;
	s24 =	sadd.s32 $0x10, s24;
	s25 =	sadd.s32 s0, s25;
	[tilespmem:v63+s19+$0x0] =	vst.idx.msk $0xffff, v36  }
0x164: {  	[tilespmem:s17], [sflag:$0x1] =	stream.strided.gather [hbm4b:s25+s7], $0x2000, s9, s7, $0x38;
	[tilespmem:$0x18200] =	vst v63  }
0x165: {  	_ =	swait.ge [sflag:s18], $0x2000  }
0x166: {  	[sflag:s18] =	ssyncset.done $0x0  }
0x167: {  	[sflag:s18] =	ssyncadd.s32 $0xFFFFE000  }
0x168: {  	_ =	swait.ge [sflag:s18], $0x2000  }
0x169: {  	[sflag:s18] =	ssyncset.done $0x0  }
0x16a: {  	[sflag:s18] =	ssyncadd.s32 $0xFFFFE000  }
0x16b: {  	_ =	swait.ge [sflag:s18], $0x2000  }
0x16c: {  	[sflag:s18] =	ssyncset.done $0x0  }
0x16d: {  	[sflag:s18] =	ssyncadd.s32 $0xFFFFE000  }
0x16e: {  	_ =	swait.ge [sflag:s18], $0x2000  }
0x16f: {  	[sflag:s18] =	ssyncset.done $0x0  }
0x170: {  	[sflag:s18] =	ssyncadd.s32 $0xFFFFE000  }
0x171: {  	_ =	swait.ge [sflag:s18], $0x2000  }
0x172: {  	[sflag:s18] =	ssyncset.done $0x0  }
0x173: {  	[sflag:s18] =	ssyncadd.s32 $0xFFFFE000  }
0x174: {  	_ =	swait.ge [sflag:s18], $0x2000  }
0x175: {  	[sflag:s18] =	ssyncset.done $0x0  }
0x176: {  	[sflag:s18] =	ssyncadd.s32 $0xFFFFE000  }
0x177: {  	_ =	swait.ge [sflag:s18], $0x2000  }
0x178: {  	[sflag:s18] =	ssyncset.done $0x0  }
0x179: {  	[sflag:s18] =	ssyncadd.s32 $0xFFFFE000  }
0x17a: {  	s22 =	sadd.s32 $0x1, s22;
	_ =	swait.ge [sflag:s18], $0x2000  }
0x17b: {  	p0 =	sne.s32 s22, s6;
	[sflag:s18] =	ssyncset.done $0x0  }
.Ltmp1:
0x17c: {  	[sflag:s18] =	ssyncadd.s32 $0xFFFFE000;
	(pc) =	sbr.rel @p0 .LBB2_1-.Ltmp1, $4  }
0x17d: {  	[hbm4b:s5+s20] =	stream.strided.scatter [tilespmem:s19], [sflag:$0x2], $0x8000, s21, s20, $0x38;
	[tilespmem:$0x18200] =	vst v63  }
0x17e: {  	_ =	swait.ge [sflag:s8], $0x8000  }
0x17f: {  	[sflag:s8] =	ssyncset.done $0x0  }
0x180: {  	[sflag:s8] =	ssyncadd.s32 $0xFFFF8000  }
0x181: {  	_ =	sfence.sel $0x180000  }
0x182: {  	[bflag:$0x0] =	sbarrier.arrive $0xFFFF  }
0x183: {  	p0 =	sne.s32 s2, $0x0;
	_ =	strace $0x90000047  }
0x184: {  	s0 =	sadd.s32 @!p0 $0x100000, s1;
	[bflag:$0x2] =	sbarrier.arrive $0xFFFF  }
0x185: {  	[sflag:s0] =	ssyncadd.tile.s32 @!p0 $0x1;
	_ =	shalt  }
.Lfunc_end2:
_tile_overlayer_lowered:
.L_overlay_start_2:
0x186: {  	(tag) =	ssettag $0x2  }
0x187: {  	s0 =	rddreg [dreg:$0x0];
	s2 =	stileid.u32  }
0x188: {  	s1 =	rddreg [dreg:$0x1];
	p0 =	sne.s32 s2, $0x0  }
0x189: {  	s3 =	rddreg [dreg:$0x2];
	[bflag:$0x3] =	sbarrier.arrive $0xFFFF;
	s2 =	simm.s32 @!p0 $0x1C02  }
0x18a: {  	[timem:s3], [sflag:s2] =	dma.local @!p0 [hbm:s0], s1  }
0x18b: {  	s0 =	simm.s32 @!p0 $0x2  }
0x18c: {  	_ =	swait.ge @!p0 [sflag:s0], s1  }
0x18d: {  	s1 =	ssub.s32 @!p0 $0x0, s1;
	[sflag:s0] =	ssyncset.done @!p0 $0x0  }
0x18e: {  	[sflag:s0] =	ssyncadd.s32 @!p0 s1  }
0x18f: {  	[bflag:$0x3] =	sbarrier.arrive $0xFFFF  }
0x190: {  	_ =	shalt  }

</sc_bundles>
